<compile_context>
chip_gen: v7x
topology: tpu7x:2x2x1
jax: 0.10.2.dev20260603
libtpu: 0.0.44.dev20260713+nightly
codegen_flags: <defaults>
</compile_context>

<pallas_src>
import functools

import jax
import jax.numpy as jnp
from jax import lax
from jax.experimental import pallas as pl
from jax.experimental.pallas import tpu as pltpu
from jax.experimental.pallas import tpu_sc as plsc

N_MODALITIES = 8
D_MODEL = 1024

NC = 2
NS = 16
NW = NC * NS

B = 4 * 8192
B_PER_W = B // NW
K = 16
N_BATCH = B_PER_W // K


def _sc_embedding_gather(ids_flat, emb):
    mesh = plsc.VectorSubcoreMesh(
        core_axis_name="c", subcore_axis_name="s", num_cores=NC, num_subcores=NS
    )

    @functools.partial(
        pl.kernel,
        out_type=jax.ShapeDtypeStruct((B, D_MODEL), jnp.float32),
        mesh=mesh,
        scratch_types=[
            pltpu.VMEM((N_MODALITIES, D_MODEL), jnp.float32),
            pltpu.VMEM((B_PER_W,), jnp.int32),
            pltpu.SemaphoreType.DMA,
        ],
    )
    def body(idx_hbm, emb_hbm, out_hbm, tab_v, idx_v, sem):
        cid = lax.axis_index("c")
        sid = lax.axis_index("s")
        wid = sid * NC + cid
        base = wid * B_PER_W

        pltpu.sync_copy(emb_hbm, tab_v)
        pltpu.sync_copy(idx_hbm.at[pl.ds(base, B_PER_W)], idx_v)

        def fire(batch):
            v = idx_v[pl.ds(batch * K, K)]
            for j in range(K):
                rid = v[j]
                pltpu.async_copy(tab_v.at[rid], out_hbm.at[base + batch * K + j], sem)

        def drain():
            for j in range(K):
                pltpu.make_async_copy(tab_v.at[0], out_hbm.at[base], sem).wait()

        fire(0)

        def step(g, _):
            @pl.when(g + 1 < N_BATCH)
            def _():
                fire(g + 1)

            drain()
            return 0

        lax.fori_loop(0, N_BATCH, step, 0)

    return body(ids_flat, emb)


def kernel(modality_ids, emb):
    ids_flat = modality_ids.reshape(-1).astype(jnp.int32)
    out = _sc_embedding_gather(ids_flat, emb)
    return out.reshape(modality_ids.shape + (emb.shape[1],))

# --- scband reference (transcript-rebuilt; emitter-appended) ---
"""Pipeline reference for scband-modality-type-embedding-40355512714008 (READ-ONLY COPY).

The authoritative reference and input builder live on the scoring server;
editing this copy changes nothing except your own understanding.
"""

import jax, jax.numpy as jnp
import numpy as np

N_MODALITIES = 8
D_MODEL = 1024

def setup_inputs(seed: int = 0) -> dict:
    key = jax.random.key(seed)
    k_idx, k_emb = jax.random.split(key)
    modality_ids = jax.random.randint(k_idx, (4, 8192), 0, N_MODALITIES, dtype=jnp.int64 if jax.config.jax_enable_x64 else jnp.int32)
    emb = jax.random.normal(k_emb, (N_MODALITIES, D_MODEL), dtype=jnp.float32)
    return {"modality_ids": modality_ids, "emb": emb}

def reference(modality_ids, emb):
    # nn.Embedding forward: table lookup by index
    return jnp.take(emb, modality_ids, axis=0)

if __name__ == "__main__":
    import jax
    _d = setup_inputs()
    print(jax.jit(kernel)(*tuple(_d.values())))

</pallas_src>

<mosaic_0001>
#map = affine_map<(d0, d1) -> (0)>
#map1 = affine_map<(d0, d1) -> (0, 0)>
module attributes {stable_mosaic.version = 14 : i64} {
  func.func @body(%arg0: i32, %arg1: i32, %arg2: memref<32768xi32, #tpu.memory_space<hbm>>, %arg3: memref<8x1024xf32, #tpu.memory_space<hbm>>, %arg4: memref<32768x1024xf32, #tpu.memory_space<hbm>>, %arg5: memref<8x1024xf32, #tpu.memory_space<vmem>>, %arg6: memref<1024xi32, #tpu.memory_space<vmem>>, %arg7: memref<!tpu.dma_semaphore, #tpu.memory_space<semaphore_mem>>) attributes {dimension_semantics = [#tpu.dimension_semantics<core_parallel>, #tpu.dimension_semantics<subcore_parallel>], iteration_bounds = array<i64: 2, 16>, scalar_prefetch = 0 : i64, scratch_operands = 3 : i64, tpu.core_type = #tpu.core_type<sc_vector_subcore>, window_params = [{transform_indices = #map}, {transform_indices = #map1}, {transform_indices = #map1}]} {
    %mul3A = arith.constant 2 : i32
    %mul3A_0 = arith.muli %arg1, %mul3A : i32
    %add3A = arith.addi %mul3A_0, %arg0 : i32
    %mul3A_1 = arith.constant 1024 : i32
    %mul3A_2 = arith.muli %add3A, %mul3A_1 : i32
    "tpu.region"() ({
      %run_scoped3A = tpu.sem_alloc : memref<!tpu.dma_semaphore, #tpu.memory_space<semaphore_mem>>
      tpu.enqueue_dma source(%arg3 : memref<8x1024xf32, #tpu.memory_space<hbm>>) target(%arg5 : memref<8x1024xf32, #tpu.memory_space<vmem>>) target_semaphore(%run_scoped3A : memref<!tpu.dma_semaphore, #tpu.memory_space<semaphore_mem>>)
      tpu.wait_dma2 semaphore(%run_scoped3A : memref<!tpu.dma_semaphore, #tpu.memory_space<semaphore_mem>>) src(%arg3 : memref<8x1024xf32, #tpu.memory_space<hbm>>) dst(%arg5 : memref<8x1024xf32, #tpu.memory_space<vmem>>)
      tpu.yield
    }) : () -> ()
    "tpu.region"() ({
      %run_scoped3A = tpu.sem_alloc : memref<!tpu.dma_semaphore, #tpu.memory_space<semaphore_mem>>
      %dma_start3A_296 = tpu.memref_slice %arg2[%mul3A_2] : memref<32768xi32, #tpu.memory_space<hbm>> -> memref<1024xi32, #tpu.memory_space<hbm>>
      %dma_start3A_297 = tpu.memref_slice %arg2[%mul3A_2] : memref<32768xi32, #tpu.memory_space<hbm>> -> memref<1024xi32, #tpu.memory_space<hbm>>
      tpu.enqueue_dma source(%dma_start3A_297 : memref<1024xi32, #tpu.memory_space<hbm>>) target(%arg6 : memref<1024xi32, #tpu.memory_space<vmem>>) target_semaphore(%run_scoped3A : memref<!tpu.dma_semaphore, #tpu.memory_space<semaphore_mem>>)
      %dma_wait3A = tpu.memref_slice %arg2[%mul3A_2] : memref<32768xi32, #tpu.memory_space<hbm>> -> memref<1024xi32, #tpu.memory_space<hbm>>
      %dma_wait3A_298 = tpu.memref_slice %arg2[%mul3A_2] : memref<32768xi32, #tpu.memory_space<hbm>> -> memref<1024xi32, #tpu.memory_space<hbm>>
      tpu.wait_dma2 semaphore(%run_scoped3A : memref<!tpu.dma_semaphore, #tpu.memory_space<semaphore_mem>>) src(%dma_wait3A_298 : memref<1024xi32, #tpu.memory_space<hbm>>) dst(%arg6 : memref<1024xi32, #tpu.memory_space<vmem>>)
      tpu.yield
    }) : () -> ()
    %get3A = arith.constant 0 : index
    %get3A_3 = tpu.vector_load %arg6[%get3A] {strides = array<i32>} : memref<1024xi32, #tpu.memory_space<vmem>>, vector<16xi32>,
    %get3A_4 = vector.shape_cast %get3A_3 : vector<16xi32> to vector<16xi32>
    %slice3A = vector.extract_strided_slice %get3A_4 {offsets = [0], sizes = [1], strides = [1]} : vector<16xi32> to vector<1xi32>
    %squeeze3A = vector.extract %slice3A[0] : i32 from vector<1xi32>
    %add3A_5 = arith.constant 0 : i32
    %add3A_6 = arith.addi %mul3A_2, %add3A_5 : i32
    %add3A_7 = arith.constant 0 : i32
    %add3A_8 = arith.addi %add3A_6, %add3A_7 : i32
    %dma_start3A = arith.constant 0 : i32
    %dma_start3A_9 = tpu.memref_slice %arg5[%squeeze3A, %dma_start3A] : memref<8x1024xf32, #tpu.memory_space<vmem>> -> memref<1x1024xf32, #tpu.memory_space<vmem>>
    %dma_start3A_10 = tpu.memref_squeeze %dma_start3A_9 : memref<1x1024xf32, #tpu.memory_space<vmem>> -> memref<1024xf32, #tpu.memory_space<vmem>>
    %dma_start3A_11 = arith.constant 0 : i32
    %dma_start3A_12 = tpu.memref_slice %arg4[%add3A_8, %dma_start3A_11] : memref<32768x1024xf32, #tpu.memory_space<hbm>> -> memref<1x1024xf32, #tpu.memory_space<hbm>>
    %dma_start3A_13 = tpu.memref_squeeze %dma_start3A_12 : memref<1x1024xf32, #tpu.memory_space<hbm>> -> memref<1024xf32, #tpu.memory_space<hbm>>
    %dma_start3A_14 = arith.constant 0 : i32
    %dma_start3A_15 = tpu.memref_slice %arg4[%add3A_8, %dma_start3A_14] : memref<32768x1024xf32, #tpu.memory_space<hbm>> -> memref<1x1024xf32, #tpu.memory_space<hbm>>
    %dma_start3A_16 = tpu.memref_squeeze %dma_start3A_15 : memref<1x1024xf32, #tpu.memory_space<hbm>> -> memref<1024xf32, #tpu.memory_space<hbm>>
    %dma_start3A_17 = arith.constant 0 : i32
    %dma_start3A_18 = tpu.memref_slice %arg5[%squeeze3A, %dma_start3A_17] : memref<8x1024xf32, #tpu.memory_space<vmem>> -> memref<1x1024xf32, #tpu.memory_space<vmem>>
    %dma_start3A_19 = tpu.memref_squeeze %dma_start3A_18 : memref<1x1024xf32, #tpu.memory_space<vmem>> -> memref<1024xf32, #tpu.memory_space<vmem>>
    tpu.enqueue_dma source(%dma_start3A_19 : memref<1024xf32, #tpu.memory_space<vmem>>) target(%dma_start3A_16 : memref<1024xf32, #tpu.memory_space<hbm>>) target_semaphore(%arg7 : memref<!tpu.dma_semaphore, #tpu.memory_space<semaphore_mem>>)
    %slice3A_20 = vector.extract_strided_slice %get3A_4 {offsets = [1], sizes = [1], strides = [1]} : vector<16xi32> to vector<1xi32>
    %squeeze3A_21 = vector.extract %slice3A_20[0] : i32 from vector<1xi32>
    %add3A_22 = arith.constant 0 : i32
    %add3A_23 = arith.addi %mul3A_2, %add3A_22 : i32
    %add3A_24 = arith.constant 1 : i32
    %add3A_25 = arith.addi %add3A_23, %add3A_24 : i32
    %dma_start3A_26 = arith.constant 0 : i32
    %dma_start3A_27 = tpu.memref_slice %arg5[%squeeze3A_21, %dma_start3A_26] : memref<8x1024xf32, #tpu.memory_space<vmem>> -> memref<1x1024xf32, #tpu.memory_space<vmem>>
    %dma_start3A_28 = tpu.memref_squeeze %dma_start3A_27 : memref<1x1024xf32, #tpu.memory_space<vmem>> -> memref<1024xf32, #tpu.memory_space<vmem>>
    %dma_start3A_29 = arith.constant 0 : i32
    %dma_start3A_30 = tpu.memref_slice %arg4[%add3A_25, %dma_start3A_29] : memref<32768x1024xf32, #tpu.memory_space<hbm>> -> memref<1x1024xf32, #tpu.memory_space<hbm>>
    %dma_start3A_31 = tpu.memref_squeeze %dma_start3A_30 : memref<1x1024xf32, #tpu.memory_space<hbm>> -> memref<1024xf32, #tpu.memory_space<hbm>>
    %dma_start3A_32 = arith.constant 0 : i32
    %dma_start3A_33 = tpu.memref_slice %arg4[%add3A_25, %dma_start3A_32] : memref<32768x1024xf32, #tpu.memory_space<hbm>> -> memref<1x1024xf32, #tpu.memory_space<hbm>>
    %dma_start3A_34 = tpu.memref_squeeze %dma_start3A_33 : memref<1x1024xf32, #tpu.memory_space<hbm>> -> memref<1024xf32, #tpu.memory_space<hbm>>
    %dma_start3A_35 = arith.constant 0 : i32
    %dma_start3A_36 = tpu.memref_slice %arg5[%squeeze3A_21, %dma_start3A_35] : memref<8x1024xf32, #tpu.memory_space<vmem>> -> memref<1x1024xf32, #tpu.memory_space<vmem>>
    %dma_start3A_37 = tpu.memref_squeeze %dma_start3A_36 : memref<1x1024xf32, #tpu.memory_space<vmem>> -> memref<1024xf32, #tpu.memory_space<vmem>>
    tpu.enqueue_dma source(%dma_start3A_37 : memref<1024xf32, #tpu.memory_space<vmem>>) target(%dma_start3A_34 : memref<1024xf32, #tpu.memory_space<hbm>>) target_semaphore(%arg7 : memref<!tpu.dma_semaphore, #tpu.memory_space<semaphore_mem>>)
    %slice3A_38 = vector.extract_strided_slice %get3A_4 {offsets = [2], sizes = [1], strides = [1]} : vector<16xi32> to vector<1xi32>
    %squeeze3A_39 = vector.extract %slice3A_38[0] : i32 from vector<1xi32>
    %add3A_40 = arith.constant 0 : i32
    %add3A_41 = arith.addi %mul3A_2, %add3A_40 : i32
    %add3A_42 = arith.constant 2 : i32
    %add3A_43 = arith.addi %add3A_41, %add3A_42 : i32
    %dma_start3A_44 = arith.constant 0 : i32
    %dma_start3A_45 = tpu.memref_slice %arg5[%squeeze3A_39, %dma_start3A_44] : memref<8x1024xf32, #tpu.memory_space<vmem>> -> memref<1x1024xf32, #tpu.memory_space<vmem>>
    %dma_start3A_46 = tpu.memref_squeeze %dma_start3A_45 : memref<1x1024xf32, #tpu.memory_space<vmem>> -> memref<1024xf32, #tpu.memory_space<vmem>>
    %dma_start3A_47 = arith.constant 0 : i32
    %dma_start3A_48 = tpu.memref_slice %arg4[%add3A_43, %dma_start3A_47] : memref<32768x1024xf32, #tpu.memory_space<hbm>> -> memref<1x1024xf32, #tpu.memory_space<hbm>>
    %dma_start3A_49 = tpu.memref_squeeze %dma_start3A_48 : memref<1x1024xf32, #tpu.memory_space<hbm>> -> memref<1024xf32, #tpu.memory_space<hbm>>
    %dma_start3A_50 = arith.constant 0 : i32
    %dma_start3A_51 = tpu.memref_slice %arg4[%add3A_43, %dma_start3A_50] : memref<32768x1024xf32, #tpu.memory_space<hbm>> -> memref<1x1024xf32, #tpu.memory_space<hbm>>
    %dma_start3A_52 = tpu.memref_squeeze %dma_start3A_51 : memref<1x1024xf32, #tpu.memory_space<hbm>> -> memref<1024xf32, #tpu.memory_space<hbm>>
    %dma_start3A_53 = arith.constant 0 : i32
    %dma_start3A_54 = tpu.memref_slice %arg5[%squeeze3A_39, %dma_start3A_53] : memref<8x1024xf32, #tpu.memory_space<vmem>> -> memref<1x1024xf32, #tpu.memory_space<vmem>>
    %dma_start3A_55 = tpu.memref_squeeze %dma_start3A_54 : memref<1x1024xf32, #tpu.memory_space<vmem>> -> memref<1024xf32, #tpu.memory_space<vmem>>
    tpu.enqueue_dma source(%dma_start3A_55 : memref<1024xf32, #tpu.memory_space<vmem>>) target(%dma_start3A_52 : memref<1024xf32, #tpu.memory_space<hbm>>) target_semaphore(%arg7 : memref<!tpu.dma_semaphore, #tpu.memory_space<semaphore_mem>>)
    %slice3A_56 = vector.extract_strided_slice %get3A_4 {offsets = [3], sizes = [1], strides = [1]} : vector<16xi32> to vector<1xi32>
    %squeeze3A_57 = vector.extract %slice3A_56[0] : i32 from vector<1xi32>
    %add3A_58 = arith.constant 0 : i32
    %add3A_59 = arith.addi %mul3A_2, %add3A_58 : i32
    %add3A_60 = arith.constant 3 : i32
    %add3A_61 = arith.addi %add3A_59, %add3A_60 : i32
    %dma_start3A_62 = arith.constant 0 : i32
    %dma_start3A_63 = tpu.memref_slice %arg5[%squeeze3A_57, %dma_start3A_62] : memref<8x1024xf32, #tpu.memory_space<vmem>> -> memref<1x1024xf32, #tpu.memory_space<vmem>>
    %dma_start3A_64 = tpu.memref_squeeze %dma_start3A_63 : memref<1x1024xf32, #tpu.memory_space<vmem>> -> memref<1024xf32, #tpu.memory_space<vmem>>
    %dma_start3A_65 = arith.constant 0 : i32
    %dma_start3A_66 = tpu.memref_slice %arg4[%add3A_61, %dma_start3A_65] : memref<32768x1024xf32, #tpu.memory_space<hbm>> -> memref<1x1024xf32, #tpu.memory_space<hbm>>
    %dma_start3A_67 = tpu.memref_squeeze %dma_start3A_66 : memref<1x1024xf32, #tpu.memory_space<hbm>> -> memref<1024xf32, #tpu.memory_space<hbm>>
    %dma_start3A_68 = arith.constant 0 : i32
    %dma_start3A_69 = tpu.memref_slice %arg4[%add3A_61, %dma_start3A_68] : memref<32768x1024xf32, #tpu.memory_space<hbm>> -> memref<1x1024xf32, #tpu.memory_space<hbm>>
    %dma_start3A_70 = tpu.memref_squeeze %dma_start3A_69 : memref<1x1024xf32, #tpu.memory_space<hbm>> -> memref<1024xf32, #tpu.memory_space<hbm>>
    %dma_start3A_71 = arith.constant 0 : i32
    %dma_start3A_72 = tpu.memref_slice %arg5[%squeeze3A_57, %dma_start3A_71] : memref<8x1024xf32, #tpu.memory_space<vmem>> -> memref<1x1024xf32, #tpu.memory_space<vmem>>
    %dma_start3A_73 = tpu.memref_squeeze %dma_start3A_72 : memref<1x1024xf32, #tpu.memory_space<vmem>> -> memref<1024xf32, #tpu.memory_space<vmem>>
    tpu.enqueue_dma source(%dma_start3A_73 : memref<1024xf32, #tpu.memory_space<vmem>>) target(%dma_start3A_70 : memref<1024xf32, #tpu.memory_space<hbm>>) target_semaphore(%arg7 : memref<!tpu.dma_semaphore, #tpu.memory_space<semaphore_mem>>)
    %slice3A_74 = vector.extract_strided_slice %get3A_4 {offsets = [4], sizes = [1], strides = [1]} : vector<16xi32> to vector<1xi32>
    %squeeze3A_75 = vector.extract %slice3A_74[0] : i32 from vector<1xi32>
    %add3A_76 = arith.constant 0 : i32
    %add3A_77 = arith.addi %mul3A_2, %add3A_76 : i32
    %add3A_78 = arith.constant 4 : i32
    %add3A_79 = arith.addi %add3A_77, %add3A_78 : i32
    %dma_start3A_80 = arith.constant 0 : i32
    %dma_start3A_81 = tpu.memref_slice %arg5[%squeeze3A_75, %dma_start3A_80] : memref<8x1024xf32, #tpu.memory_space<vmem>> -> memref<1x1024xf32, #tpu.memory_space<vmem>>
    %dma_start3A_82 = tpu.memref_squeeze %dma_start3A_81 : memref<1x1024xf32, #tpu.memory_space<vmem>> -> memref<1024xf32, #tpu.memory_space<vmem>>
    %dma_start3A_83 = arith.constant 0 : i32
    %dma_start3A_84 = tpu.memref_slice %arg4[%add3A_79, %dma_start3A_83] : memref<32768x1024xf32, #tpu.memory_space<hbm>> -> memref<1x1024xf32, #tpu.memory_space<hbm>>
    %dma_start3A_85 = tpu.memref_squeeze %dma_start3A_84 : memref<1x1024xf32, #tpu.memory_space<hbm>> -> memref<1024xf32, #tpu.memory_space<hbm>>
    %dma_start3A_86 = arith.constant 0 : i32
    %dma_start3A_87 = tpu.memref_slice %arg4[%add3A_79, %dma_start3A_86] : memref<32768x1024xf32, #tpu.memory_space<hbm>> -> memref<1x1024xf32, #tpu.memory_space<hbm>>
    %dma_start3A_88 = tpu.memref_squeeze %dma_start3A_87 : memref<1x1024xf32, #tpu.memory_space<hbm>> -> memref<1024xf32, #tpu.memory_space<hbm>>
    %dma_start3A_89 = arith.constant 0 : i32
    %dma_start3A_90 = tpu.memref_slice %arg5[%squeeze3A_75, %dma_start3A_89] : memref<8x1024xf32, #tpu.memory_space<vmem>> -> memref<1x1024xf32, #tpu.memory_space<vmem>>
    %dma_start3A_91 = tpu.memref_squeeze %dma_start3A_90 : memref<1x1024xf32, #tpu.memory_space<vmem>> -> memref<1024xf32, #tpu.memory_space<vmem>>
    tpu.enqueue_dma source(%dma_start3A_91 : memref<1024xf32, #tpu.memory_space<vmem>>) target(%dma_start3A_88 : memref<1024xf32, #tpu.memory_space<hbm>>) target_semaphore(%arg7 : memref<!tpu.dma_semaphore, #tpu.memory_space<semaphore_mem>>)
    %slice3A_92 = vector.extract_strided_slice %get3A_4 {offsets = [5], sizes = [1], strides = [1]} : vector<16xi32> to vector<1xi32>
    %squeeze3A_93 = vector.extract %slice3A_92[0] : i32 from vector<1xi32>
    %add3A_94 = arith.constant 0 : i32
    %add3A_95 = arith.addi %mul3A_2, %add3A_94 : i32
    %add3A_96 = arith.constant 5 : i32
    %add3A_97 = arith.addi %add3A_95, %add3A_96 : i32
    %dma_start3A_98 = arith.constant 0 : i32
    %dma_start3A_99 = tpu.memref_slice %arg5[%squeeze3A_93, %dma_start3A_98] : memref<8x1024xf32, #tpu.memory_space<vmem>> -> memref<1x1024xf32, #tpu.memory_space<vmem>>
    %dma_start3A_100 = tpu.memref_squeeze %dma_start3A_99 : memref<1x1024xf32, #tpu.memory_space<vmem>> -> memref<1024xf32, #tpu.memory_space<vmem>>
    %dma_start3A_101 = arith.constant 0 : i32
    %dma_start3A_102 = tpu.memref_slice %arg4[%add3A_97, %dma_start3A_101] : memref<32768x1024xf32, #tpu.memory_space<hbm>> -> memref<1x1024xf32, #tpu.memory_space<hbm>>
    %dma_start3A_103 = tpu.memref_squeeze %dma_start3A_102 : memref<1x1024xf32, #tpu.memory_space<hbm>> -> memref<1024xf32, #tpu.memory_space<hbm>>
    %dma_start3A_104 = arith.constant 0 : i32
    %dma_start3A_105 = tpu.memref_slice %arg4[%add3A_97, %dma_start3A_104] : memref<32768x1024xf32, #tpu.memory_space<hbm>> -> memref<1x1024xf32, #tpu.memory_space<hbm>>
    %dma_start3A_106 = tpu.memref_squeeze %dma_start3A_105 : memref<1x1024xf32, #tpu.memory_space<hbm>> -> memref<1024xf32, #tpu.memory_space<hbm>>
    %dma_start3A_107 = arith.constant 0 : i32
    %dma_start3A_108 = tpu.memref_slice %arg5[%squeeze3A_93, %dma_start3A_107] : memref<8x1024xf32, #tpu.memory_space<vmem>> -> memref<1x1024xf32, #tpu.memory_space<vmem>>
    %dma_start3A_109 = tpu.memref_squeeze %dma_start3A_108 : memref<1x1024xf32, #tpu.memory_space<vmem>> -> memref<1024xf32, #tpu.memory_space<vmem>>
    tpu.enqueue_dma source(%dma_start3A_109 : memref<1024xf32, #tpu.memory_space<vmem>>) target(%dma_start3A_106 : memref<1024xf32, #tpu.memory_space<hbm>>) target_semaphore(%arg7 : memref<!tpu.dma_semaphore, #tpu.memory_space<semaphore_mem>>)
    %slice3A_110 = vector.extract_strided_slice %get3A_4 {offsets = [6], sizes = [1], strides = [1]} : vector<16xi32> to vector<1xi32>
    %squeeze3A_111 = vector.extract %slice3A_110[0] : i32 from vector<1xi32>
    %add3A_112 = arith.constant 0 : i32
    %add3A_113 = arith.addi %mul3A_2, %add3A_112 : i32
    %add3A_114 = arith.constant 6 : i32
    %add3A_115 = arith.addi %add3A_113, %add3A_114 : i32
    %dma_start3A_116 = arith.constant 0 : i32
    %dma_start3A_117 = tpu.memref_slice %arg5[%squeeze3A_111, %dma_start3A_116] : memref<8x1024xf32, #tpu.memory_space<vmem>> -> memref<1x1024xf32, #tpu.memory_space<vmem>>
    %dma_start3A_118 = tpu.memref_squeeze %dma_start3A_117 : memref<1x1024xf32, #tpu.memory_space<vmem>> -> memref<1024xf32, #tpu.memory_space<vmem>>
    %dma_start3A_119 = arith.constant 0 : i32
    %dma_start3A_120 = tpu.memref_slice %arg4[%add3A_115, %dma_start3A_119] : memref<32768x1024xf32, #tpu.memory_space<hbm>> -> memref<1x1024xf32, #tpu.memory_space<hbm>>
    %dma_start3A_121 = tpu.memref_squeeze %dma_start3A_120 : memref<1x1024xf32, #tpu.memory_space<hbm>> -> memref<1024xf32, #tpu.memory_space<hbm>>
    %dma_start3A_122 = arith.constant 0 : i32
    %dma_start3A_123 = tpu.memref_slice %arg4[%add3A_115, %dma_start3A_122] : memref<32768x1024xf32, #tpu.memory_space<hbm>> -> memref<1x1024xf32, #tpu.memory_space<hbm>>
    %dma_start3A_124 = tpu.memref_squeeze %dma_start3A_123 : memref<1x1024xf32, #tpu.memory_space<hbm>> -> memref<1024xf32, #tpu.memory_space<hbm>>
    %dma_start3A_125 = arith.constant 0 : i32
    %dma_start3A_126 = tpu.memref_slice %arg5[%squeeze3A_111, %dma_start3A_125] : memref<8x1024xf32, #tpu.memory_space<vmem>> -> memref<1x1024xf32, #tpu.memory_space<vmem>>
    %dma_start3A_127 = tpu.memref_squeeze %dma_start3A_126 : memref<1x1024xf32, #tpu.memory_space<vmem>> -> memref<1024xf32, #tpu.memory_space<vmem>>
    tpu.enqueue_dma source(%dma_start3A_127 : memref<1024xf32, #tpu.memory_space<vmem>>) target(%dma_start3A_124 : memref<1024xf32, #tpu.memory_space<hbm>>) target_semaphore(%arg7 : memref<!tpu.dma_semaphore, #tpu.memory_space<semaphore_mem>>)
    %slice3A_128 = vector.extract_strided_slice %get3A_4 {offsets = [7], sizes = [1], strides = [1]} : vector<16xi32> to vector<1xi32>
    %squeeze3A_129 = vector.extract %slice3A_128[0] : i32 from vector<1xi32>
    %add3A_130 = arith.constant 0 : i32
    %add3A_131 = arith.addi %mul3A_2, %add3A_130 : i32
    %add3A_132 = arith.constant 7 : i32
    %add3A_133 = arith.addi %add3A_131, %add3A_132 : i32
    %dma_start3A_134 = arith.constant 0 : i32
    %dma_start3A_135 = tpu.memref_slice %arg5[%squeeze3A_129, %dma_start3A_134] : memref<8x1024xf32, #tpu.memory_space<vmem>> -> memref<1x1024xf32, #tpu.memory_space<vmem>>
    %dma_start3A_136 = tpu.memref_squeeze %dma_start3A_135 : memref<1x1024xf32, #tpu.memory_space<vmem>> -> memref<1024xf32, #tpu.memory_space<vmem>>
    %dma_start3A_137 = arith.constant 0 : i32
    %dma_start3A_138 = tpu.memref_slice %arg4[%add3A_133, %dma_start3A_137] : memref<32768x1024xf32, #tpu.memory_space<hbm>> -> memref<1x1024xf32, #tpu.memory_space<hbm>>
    %dma_start3A_139 = tpu.memref_squeeze %dma_start3A_138 : memref<1x1024xf32, #tpu.memory_space<hbm>> -> memref<1024xf32, #tpu.memory_space<hbm>>
    %dma_start3A_140 = arith.constant 0 : i32
    %dma_start3A_141 = tpu.memref_slice %arg4[%add3A_133, %dma_start3A_140] : memref<32768x1024xf32, #tpu.memory_space<hbm>> -> memref<1x1024xf32, #tpu.memory_space<hbm>>
    %dma_start3A_142 = tpu.memref_squeeze %dma_start3A_141 : memref<1x1024xf32, #tpu.memory_space<hbm>> -> memref<1024xf32, #tpu.memory_space<hbm>>
    %dma_start3A_143 = arith.constant 0 : i32
    %dma_start3A_144 = tpu.memref_slice %arg5[%squeeze3A_129, %dma_start3A_143] : memref<8x1024xf32, #tpu.memory_space<vmem>> -> memref<1x1024xf32, #tpu.memory_space<vmem>>
    %dma_start3A_145 = tpu.memref_squeeze %dma_start3A_144 : memref<1x1024xf32, #tpu.memory_space<vmem>> -> memref<1024xf32, #tpu.memory_space<vmem>>
    tpu.enqueue_dma source(%dma_start3A_145 : memref<1024xf32, #tpu.memory_space<vmem>>) target(%dma_start3A_142 : memref<1024xf32, #tpu.memory_space<hbm>>) target_semaphore(%arg7 : memref<!tpu.dma_semaphore, #tpu.memory_space<semaphore_mem>>)
    %slice3A_146 = vector.extract_strided_slice %get3A_4 {offsets = [8], sizes = [1], strides = [1]} : vector<16xi32> to vector<1xi32>
    %squeeze3A_147 = vector.extract %slice3A_146[0] : i32 from vector<1xi32>
    %add3A_148 = arith.constant 0 : i32
    %add3A_149 = arith.addi %mul3A_2, %add3A_148 : i32
    %add3A_150 = arith.constant 8 : i32
    %add3A_151 = arith.addi %add3A_149, %add3A_150 : i32
    %dma_start3A_152 = arith.constant 0 : i32
    %dma_start3A_153 = tpu.memref_slice %arg5[%squeeze3A_147, %dma_start3A_152] : memref<8x1024xf32, #tpu.memory_space<vmem>> -> memref<1x1024xf32, #tpu.memory_space<vmem>>
    %dma_start3A_154 = tpu.memref_squeeze %dma_start3A_153 : memref<1x1024xf32, #tpu.memory_space<vmem>> -> memref<1024xf32, #tpu.memory_space<vmem>>
    %dma_start3A_155 = arith.constant 0 : i32
    %dma_start3A_156 = tpu.memref_slice %arg4[%add3A_151, %dma_start3A_155] : memref<32768x1024xf32, #tpu.memory_space<hbm>> -> memref<1x1024xf32, #tpu.memory_space<hbm>>
    %dma_start3A_157 = tpu.memref_squeeze %dma_start3A_156 : memref<1x1024xf32, #tpu.memory_space<hbm>> -> memref<1024xf32, #tpu.memory_space<hbm>>
    %dma_start3A_158 = arith.constant 0 : i32
    %dma_start3A_159 = tpu.memref_slice %arg4[%add3A_151, %dma_start3A_158] : memref<32768x1024xf32, #tpu.memory_space<hbm>> -> memref<1x1024xf32, #tpu.memory_space<hbm>>
    %dma_start3A_160 = tpu.memref_squeeze %dma_start3A_159 : memref<1x1024xf32, #tpu.memory_space<hbm>> -> memref<1024xf32, #tpu.memory_space<hbm>>
    %dma_start3A_161 = arith.constant 0 : i32
    %dma_start3A_162 = tpu.memref_slice %arg5[%squeeze3A_147, %dma_start3A_161] : memref<8x1024xf32, #tpu.memory_space<vmem>> -> memref<1x1024xf32, #tpu.memory_space<vmem>>
    %dma_start3A_163 = tpu.memref_squeeze %dma_start3A_162 : memref<1x1024xf32, #tpu.memory_space<vmem>> -> memref<1024xf32, #tpu.memory_space<vmem>>
    tpu.enqueue_dma source(%dma_start3A_163 : memref<1024xf32, #tpu.memory_space<vmem>>) target(%dma_start3A_160 : memref<1024xf32, #tpu.memory_space<hbm>>) target_semaphore(%arg7 : memref<!tpu.dma_semaphore, #tpu.memory_space<semaphore_mem>>)
    %slice3A_164 = vector.extract_strided_slice %get3A_4 {offsets = [9], sizes = [1], strides = [1]} : vector<16xi32> to vector<1xi32>
    %squeeze3A_165 = vector.extract %slice3A_164[0] : i32 from vector<1xi32>
    %add3A_166 = arith.constant 0 : i32
    %add3A_167 = arith.addi %mul3A_2, %add3A_166 : i32
    %add3A_168 = arith.constant 9 : i32
    %add3A_169 = arith.addi %add3A_167, %add3A_168 : i32
    %dma_start3A_170 = arith.constant 0 : i32
    %dma_start3A_171 = tpu.memref_slice %arg5[%squeeze3A_165, %dma_start3A_170] : memref<8x1024xf32, #tpu.memory_space<vmem>> -> memref<1x1024xf32, #tpu.memory_space<vmem>>
    %dma_start3A_172 = tpu.memref_squeeze %dma_start3A_171 : memref<1x1024xf32, #tpu.memory_space<vmem>> -> memref<1024xf32, #tpu.memory_space<vmem>>
    %dma_start3A_173 = arith.constant 0 : i32
    %dma_start3A_174 = tpu.memref_slice %arg4[%add3A_169, %dma_start3A_173] : memref<32768x1024xf32, #tpu.memory_space<hbm>> -> memref<1x1024xf32, #tpu.memory_space<hbm>>
    %dma_start3A_175 = tpu.memref_squeeze %dma_start3A_174 : memref<1x1024xf32, #tpu.memory_space<hbm>> -> memref<1024xf32, #tpu.memory_space<hbm>>
    %dma_start3A_176 = arith.constant 0 : i32
    %dma_start3A_177 = tpu.memref_slice %arg4[%add3A_169, %dma_start3A_176] : memref<32768x1024xf32, #tpu.memory_space<hbm>> -> memref<1x1024xf32, #tpu.memory_space<hbm>>
    %dma_start3A_178 = tpu.memref_squeeze %dma_start3A_177 : memref<1x1024xf32, #tpu.memory_space<hbm>> -> memref<1024xf32, #tpu.memory_space<hbm>>
    %dma_start3A_179 = arith.constant 0 : i32
    %dma_start3A_180 = tpu.memref_slice %arg5[%squeeze3A_165, %dma_start3A_179] : memref<8x1024xf32, #tpu.memory_space<vmem>> -> memref<1x1024xf32, #tpu.memory_space<vmem>>
    %dma_start3A_181 = tpu.memref_squeeze %dma_start3A_180 : memref<1x1024xf32, #tpu.memory_space<vmem>> -> memref<1024xf32, #tpu.memory_space<vmem>>
    tpu.enqueue_dma source(%dma_start3A_181 : memref<1024xf32, #tpu.memory_space<vmem>>) target(%dma_start3A_178 : memref<1024xf32, #tpu.memory_space<hbm>>) target_semaphore(%arg7 : memref<!tpu.dma_semaphore, #tpu.memory_space<semaphore_mem>>)
    %slice3A_182 = vector.extract_strided_slice %get3A_4 {offsets = [10], sizes = [1], strides = [1]} : vector<16xi32> to vector<1xi32>
    %squeeze3A_183 = vector.extract %slice3A_182[0] : i32 from vector<1xi32>
    %add3A_184 = arith.constant 0 : i32
    %add3A_185 = arith.addi %mul3A_2, %add3A_184 : i32
    %add3A_186 = arith.constant 10 : i32
    %add3A_187 = arith.addi %add3A_185, %add3A_186 : i32
    %dma_start3A_188 = arith.constant 0 : i32
    %dma_start3A_189 = tpu.memref_slice %arg5[%squeeze3A_183, %dma_start3A_188] : memref<8x1024xf32, #tpu.memory_space<vmem>> -> memref<1x1024xf32, #tpu.memory_space<vmem>>
    %dma_start3A_190 = tpu.memref_squeeze %dma_start3A_189 : memref<1x1024xf32, #tpu.memory_space<vmem>> -> memref<1024xf32, #tpu.memory_space<vmem>>
    %dma_start3A_191 = arith.constant 0 : i32
    %dma_start3A_192 = tpu.memref_slice %arg4[%add3A_187, %dma_start3A_191] : memref<32768x1024xf32, #tpu.memory_space<hbm>> -> memref<1x1024xf32, #tpu.memory_space<hbm>>
    %dma_start3A_193 = tpu.memref_squeeze %dma_start3A_192 : memref<1x1024xf32, #tpu.memory_space<hbm>> -> memref<1024xf32, #tpu.memory_space<hbm>>
    %dma_start3A_194 = arith.constant 0 : i32
    %dma_start3A_195 = tpu.memref_slice %arg4[%add3A_187, %dma_start3A_194] : memref<32768x1024xf32, #tpu.memory_space<hbm>> -> memref<1x1024xf32, #tpu.memory_space<hbm>>
    %dma_start3A_196 = tpu.memref_squeeze %dma_start3A_195 : memref<1x1024xf32, #tpu.memory_space<hbm>> -> memref<1024xf32, #tpu.memory_space<hbm>>
    %dma_start3A_197 = arith.constant 0 : i32
    %dma_start3A_198 = tpu.memref_slice %arg5[%squeeze3A_183, %dma_start3A_197] : memref<8x1024xf32, #tpu.memory_space<vmem>> -> memref<1x1024xf32, #tpu.memory_space<vmem>>
    %dma_start3A_199 = tpu.memref_squeeze %dma_start3A_198 : memref<1x1024xf32, #tpu.memory_space<vmem>> -> memref<1024xf32, #tpu.memory_space<vmem>>
    tpu.enqueue_dma source(%dma_start3A_199 : memref<1024xf32, #tpu.memory_space<vmem>>) target(%dma_start3A_196 : memref<1024xf32, #tpu.memory_space<hbm>>) target_semaphore(%arg7 : memref<!tpu.dma_semaphore, #tpu.memory_space<semaphore_mem>>)
    %slice3A_200 = vector.extract_strided_slice %get3A_4 {offsets = [11], sizes = [1], strides = [1]} : vector<16xi32> to vector<1xi32>
    %squeeze3A_201 = vector.extract %slice3A_200[0] : i32 from vector<1xi32>
    %add3A_202 = arith.constant 0 : i32
    %add3A_203 = arith.addi %mul3A_2, %add3A_202 : i32
    %add3A_204 = arith.constant 11 : i32
    %add3A_205 = arith.addi %add3A_203, %add3A_204 : i32
    %dma_start3A_206 = arith.constant 0 : i32
    %dma_start3A_207 = tpu.memref_slice %arg5[%squeeze3A_201, %dma_start3A_206] : memref<8x1024xf32, #tpu.memory_space<vmem>> -> memref<1x1024xf32, #tpu.memory_space<vmem>>
    %dma_start3A_208 = tpu.memref_squeeze %dma_start3A_207 : memref<1x1024xf32, #tpu.memory_space<vmem>> -> memref<1024xf32, #tpu.memory_space<vmem>>
    %dma_start3A_209 = arith.constant 0 : i32
    %dma_start3A_210 = tpu.memref_slice %arg4[%add3A_205, %dma_start3A_209] : memref<32768x1024xf32, #tpu.memory_space<hbm>> -> memref<1x1024xf32, #tpu.memory_space<hbm>>
    %dma_start3A_211 = tpu.memref_squeeze %dma_start3A_210 : memref<1x1024xf32, #tpu.memory_space<hbm>> -> memref<1024xf32, #tpu.memory_space<hbm>>
    %dma_start3A_212 = arith.constant 0 : i32
    %dma_start3A_213 = tpu.memref_slice %arg4[%add3A_205, %dma_start3A_212] : memref<32768x1024xf32, #tpu.memory_space<hbm>> -> memref<1x1024xf32, #tpu.memory_space<hbm>>
    %dma_start3A_214 = tpu.memref_squeeze %dma_start3A_213 : memref<1x1024xf32, #tpu.memory_space<hbm>> -> memref<1024xf32, #tpu.memory_space<hbm>>
    %dma_start3A_215 = arith.constant 0 : i32
    %dma_start3A_216 = tpu.memref_slice %arg5[%squeeze3A_201, %dma_start3A_215] : memref<8x1024xf32, #tpu.memory_space<vmem>> -> memref<1x1024xf32, #tpu.memory_space<vmem>>
    %dma_start3A_217 = tpu.memref_squeeze %dma_start3A_216 : memref<1x1024xf32, #tpu.memory_space<vmem>> -> memref<1024xf32, #tpu.memory_space<vmem>>
    tpu.enqueue_dma source(%dma_start3A_217 : memref<1024xf32, #tpu.memory_space<vmem>>) target(%dma_start3A_214 : memref<1024xf32, #tpu.memory_space<hbm>>) target_semaphore(%arg7 : memref<!tpu.dma_semaphore, #tpu.memory_space<semaphore_mem>>)
    %slice3A_218 = vector.extract_strided_slice %get3A_4 {offsets = [12], sizes = [1], strides = [1]} : vector<16xi32> to vector<1xi32>
    %squeeze3A_219 = vector.extract %slice3A_218[0] : i32 from vector<1xi32>
    %add3A_220 = arith.constant 0 : i32
    %add3A_221 = arith.addi %mul3A_2, %add3A_220 : i32
    %add3A_222 = arith.constant 12 : i32
    %add3A_223 = arith.addi %add3A_221, %add3A_222 : i32
    %dma_start3A_224 = arith.constant 0 : i32
    %dma_start3A_225 = tpu.memref_slice %arg5[%squeeze3A_219, %dma_start3A_224] : memref<8x1024xf32, #tpu.memory_space<vmem>> -> memref<1x1024xf32, #tpu.memory_space<vmem>>
    %dma_start3A_226 = tpu.memref_squeeze %dma_start3A_225 : memref<1x1024xf32, #tpu.memory_space<vmem>> -> memref<1024xf32, #tpu.memory_space<vmem>>
    %dma_start3A_227 = arith.constant 0 : i32
    %dma_start3A_228 = tpu.memref_slice %arg4[%add3A_223, %dma_start3A_227] : memref<32768x1024xf32, #tpu.memory_space<hbm>> -> memref<1x1024xf32, #tpu.memory_space<hbm>>
    %dma_start3A_229 = tpu.memref_squeeze %dma_start3A_228 : memref<1x1024xf32, #tpu.memory_space<hbm>> -> memref<1024xf32, #tpu.memory_space<hbm>>
    %dma_start3A_230 = arith.constant 0 : i32
    %dma_start3A_231 = tpu.memref_slice %arg4[%add3A_223, %dma_start3A_230] : memref<32768x1024xf32, #tpu.memory_space<hbm>> -> memref<1x1024xf32, #tpu.memory_space<hbm>>
    %dma_start3A_232 = tpu.memref_squeeze %dma_start3A_231 : memref<1x1024xf32, #tpu.memory_space<hbm>> -> memref<1024xf32, #tpu.memory_space<hbm>>
    %dma_start3A_233 = arith.constant 0 : i32
    %dma_start3A_234 = tpu.memref_slice %arg5[%squeeze3A_219, %dma_start3A_233] : memref<8x1024xf32, #tpu.memory_space<vmem>> -> memref<1x1024xf32, #tpu.memory_space<vmem>>
    %dma_start3A_235 = tpu.memref_squeeze %dma_start3A_234 : memref<1x1024xf32, #tpu.memory_space<vmem>> -> memref<1024xf32, #tpu.memory_space<vmem>>
    tpu.enqueue_dma source(%dma_start3A_235 : memref<1024xf32, #tpu.memory_space<vmem>>) target(%dma_start3A_232 : memref<1024xf32, #tpu.memory_space<hbm>>) target_semaphore(%arg7 : memref<!tpu.dma_semaphore, #tpu.memory_space<semaphore_mem>>)
    %slice3A_236 = vector.extract_strided_slice %get3A_4 {offsets = [13], sizes = [1], strides = [1]} : vector<16xi32> to vector<1xi32>
    %squeeze3A_237 = vector.extract %slice3A_236[0] : i32 from vector<1xi32>
    %add3A_238 = arith.constant 0 : i32
    %add3A_239 = arith.addi %mul3A_2, %add3A_238 : i32
    %add3A_240 = arith.constant 13 : i32
    %add3A_241 = arith.addi %add3A_239, %add3A_240 : i32
    %dma_start3A_242 = arith.constant 0 : i32
    %dma_start3A_243 = tpu.memref_slice %arg5[%squeeze3A_237, %dma_start3A_242] : memref<8x1024xf32, #tpu.memory_space<vmem>> -> memref<1x1024xf32, #tpu.memory_space<vmem>>
    %dma_start3A_244 = tpu.memref_squeeze %dma_start3A_243 : memref<1x1024xf32, #tpu.memory_space<vmem>> -> memref<1024xf32, #tpu.memory_space<vmem>>
    %dma_start3A_245 = arith.constant 0 : i32
    %dma_start3A_246 = tpu.memref_slice %arg4[%add3A_241, %dma_start3A_245] : memref<32768x1024xf32, #tpu.memory_space<hbm>> -> memref<1x1024xf32, #tpu.memory_space<hbm>>
    %dma_start3A_247 = tpu.memref_squeeze %dma_start3A_246 : memref<1x1024xf32, #tpu.memory_space<hbm>> -> memref<1024xf32, #tpu.memory_space<hbm>>
    %dma_start3A_248 = arith.constant 0 : i32
    %dma_start3A_249 = tpu.memref_slice %arg4[%add3A_241, %dma_start3A_248] : memref<32768x1024xf32, #tpu.memory_space<hbm>> -> memref<1x1024xf32, #tpu.memory_space<hbm>>
    %dma_start3A_250 = tpu.memref_squeeze %dma_start3A_249 : memref<1x1024xf32, #tpu.memory_space<hbm>> -> memref<1024xf32, #tpu.memory_space<hbm>>
    %dma_start3A_251 = arith.constant 0 : i32
    %dma_start3A_252 = tpu.memref_slice %arg5[%squeeze3A_237, %dma_start3A_251] : memref<8x1024xf32, #tpu.memory_space<vmem>> -> memref<1x1024xf32, #tpu.memory_space<vmem>>
    %dma_start3A_253 = tpu.memref_squeeze %dma_start3A_252 : memref<1x1024xf32, #tpu.memory_space<vmem>> -> memref<1024xf32, #tpu.memory_space<vmem>>
    tpu.enqueue_dma source(%dma_start3A_253 : memref<1024xf32, #tpu.memory_space<vmem>>) target(%dma_start3A_250 : memref<1024xf32, #tpu.memory_space<hbm>>) target_semaphore(%arg7 : memref<!tpu.dma_semaphore, #tpu.memory_space<semaphore_mem>>)
    %slice3A_254 = vector.extract_strided_slice %get3A_4 {offsets = [14], sizes = [1], strides = [1]} : vector<16xi32> to vector<1xi32>
    %squeeze3A_255 = vector.extract %slice3A_254[0] : i32 from vector<1xi32>
    %add3A_256 = arith.constant 0 : i32
    %add3A_257 = arith.addi %mul3A_2, %add3A_256 : i32
    %add3A_258 = arith.constant 14 : i32
    %add3A_259 = arith.addi %add3A_257, %add3A_258 : i32
    %dma_start3A_260 = arith.constant 0 : i32
    %dma_start3A_261 = tpu.memref_slice %arg5[%squeeze3A_255, %dma_start3A_260] : memref<8x1024xf32, #tpu.memory_space<vmem>> -> memref<1x1024xf32, #tpu.memory_space<vmem>>
    %dma_start3A_262 = tpu.memref_squeeze %dma_start3A_261 : memref<1x1024xf32, #tpu.memory_space<vmem>> -> memref<1024xf32, #tpu.memory_space<vmem>>
    %dma_start3A_263 = arith.constant 0 : i32
    %dma_start3A_264 = tpu.memref_slice %arg4[%add3A_259, %dma_start3A_263] : memref<32768x1024xf32, #tpu.memory_space<hbm>> -> memref<1x1024xf32, #tpu.memory_space<hbm>>
    %dma_start3A_265 = tpu.memref_squeeze %dma_start3A_264 : memref<1x1024xf32, #tpu.memory_space<hbm>> -> memref<1024xf32, #tpu.memory_space<hbm>>
    %dma_start3A_266 = arith.constant 0 : i32
    %dma_start3A_267 = tpu.memref_slice %arg4[%add3A_259, %dma_start3A_266] : memref<32768x1024xf32, #tpu.memory_space<hbm>> -> memref<1x1024xf32, #tpu.memory_space<hbm>>
    %dma_start3A_268 = tpu.memref_squeeze %dma_start3A_267 : memref<1x1024xf32, #tpu.memory_space<hbm>> -> memref<1024xf32, #tpu.memory_space<hbm>>
    %dma_start3A_269 = arith.constant 0 : i32
    %dma_start3A_270 = tpu.memref_slice %arg5[%squeeze3A_255, %dma_start3A_269] : memref<8x1024xf32, #tpu.memory_space<vmem>> -> memref<1x1024xf32, #tpu.memory_space<vmem>>
    %dma_start3A_271 = tpu.memref_squeeze %dma_start3A_270 : memref<1x1024xf32, #tpu.memory_space<vmem>> -> memref<1024xf32, #tpu.memory_space<vmem>>
    tpu.enqueue_dma source(%dma_start3A_271 : memref<1024xf32, #tpu.memory_space<vmem>>) target(%dma_start3A_268 : memref<1024xf32, #tpu.memory_space<hbm>>) target_semaphore(%arg7 : memref<!tpu.dma_semaphore, #tpu.memory_space<semaphore_mem>>)
    %slice3A_272 = vector.extract_strided_slice %get3A_4 {offsets = [15], sizes = [1], strides = [1]} : vector<16xi32> to vector<1xi32>
    %squeeze3A_273 = vector.extract %slice3A_272[0] : i32 from vector<1xi32>
    %add3A_274 = arith.constant 0 : i32
    %add3A_275 = arith.addi %mul3A_2, %add3A_274 : i32
    %add3A_276 = arith.constant 15 : i32
    %add3A_277 = arith.addi %add3A_275, %add3A_276 : i32
    %dma_start3A_278 = arith.constant 0 : i32
    %dma_start3A_279 = tpu.memref_slice %arg5[%squeeze3A_273, %dma_start3A_278] : memref<8x1024xf32, #tpu.memory_space<vmem>> -> memref<1x1024xf32, #tpu.memory_space<vmem>>
    %dma_start3A_280 = tpu.memref_squeeze %dma_start3A_279 : memref<1x1024xf32, #tpu.memory_space<vmem>> -> memref<1024xf32, #tpu.memory_space<vmem>>
    %dma_start3A_281 = arith.constant 0 : i32
    %dma_start3A_282 = tpu.memref_slice %arg4[%add3A_277, %dma_start3A_281] : memref<32768x1024xf32, #tpu.memory_space<hbm>> -> memref<1x1024xf32, #tpu.memory_space<hbm>>
    %dma_start3A_283 = tpu.memref_squeeze %dma_start3A_282 : memref<1x1024xf32, #tpu.memory_space<hbm>> -> memref<1024xf32, #tpu.memory_space<hbm>>
    %dma_start3A_284 = arith.constant 0 : i32
    %dma_start3A_285 = tpu.memref_slice %arg4[%add3A_277, %dma_start3A_284] : memref<32768x1024xf32, #tpu.memory_space<hbm>> -> memref<1x1024xf32, #tpu.memory_space<hbm>>
    %dma_start3A_286 = tpu.memref_squeeze %dma_start3A_285 : memref<1x1024xf32, #tpu.memory_space<hbm>> -> memref<1024xf32, #tpu.memory_space<hbm>>
    %dma_start3A_287 = arith.constant 0 : i32
    %dma_start3A_288 = tpu.memref_slice %arg5[%squeeze3A_273, %dma_start3A_287] : memref<8x1024xf32, #tpu.memory_space<vmem>> -> memref<1x1024xf32, #tpu.memory_space<vmem>>
    %dma_start3A_289 = tpu.memref_squeeze %dma_start3A_288 : memref<1x1024xf32, #tpu.memory_space<vmem>> -> memref<1024xf32, #tpu.memory_space<vmem>>
    tpu.enqueue_dma source(%dma_start3A_289 : memref<1024xf32, #tpu.memory_space<vmem>>) target(%dma_start3A_286 : memref<1024xf32, #tpu.memory_space<hbm>>) target_semaphore(%arg7 : memref<!tpu.dma_semaphore, #tpu.memory_space<semaphore_mem>>)
    %scan3A = arith.constant 0 : i32
    %scan3A_290 = arith.constant 0 : i32
    %scan3A_291 = arith.constant 64 : i32
    %scan3A_292 = arith.addi %scan3A_290, %scan3A_291 : i32
    %scan3A_293 = arith.constant 1 : i32
    %scan3A_294 = scf.for %scan3A_296 = %scan3A_290 to %scan3A_292 step %scan3A_293 iter_args(%scan3A_297 = %scan3A) -> (i32)  : i32 {
      %add3A_298 = arith.constant 1 : i32
      %add3A_299 = arith.addi %scan3A_296, %add3A_298 : i32
      %lt3A = arith.constant 64 : i32
      %lt3A_300 = arith.cmpi slt, %add3A_299, %lt3A : i32
      %convert_element_type3A = arith.extui %lt3A_300 : i1 to i32
      %cond3A = arith.constant 0 : i32
      %cond3A_301 = arith.cmpi ne, %convert_element_type3A, %cond3A : i32
      scf.if %cond3A_301 {
        %add3A_510 = arith.constant 1 : i32
        %add3A_511 = arith.addi %scan3A_296, %add3A_510 : i32
        %mul3A_512 = arith.constant 16 : i32
        %mul3A_513 = arith.muli %add3A_511, %mul3A_512 : i32
        %get3A_514 = arith.index_cast %mul3A_513 : i32 to index
        %get3A_515 = tpu.vector_load %arg6[%get3A_514] {strides = array<i32>} : memref<1024xi32, #tpu.memory_space<vmem>>, vector<16xi32>,
        %get3A_516 = vector.shape_cast %get3A_515 : vector<16xi32> to vector<16xi32>
        %slice3A_517 = vector.extract_strided_slice %get3A_516 {offsets = [0], sizes = [1], strides = [1]} : vector<16xi32> to vector<1xi32>
        %squeeze3A_518 = vector.extract %slice3A_517[0] : i32 from vector<1xi32>
        %mul3A_519 = arith.constant 16 : i32
        %mul3A_520 = arith.muli %add3A_511, %mul3A_519 : i32
        %add3A_521 = arith.addi %mul3A_2, %mul3A_520 : i32
        %add3A_522 = arith.constant 0 : i32
        %add3A_523 = arith.addi %add3A_521, %add3A_522 : i32
        %dma_start3A_524 = arith.constant 0 : i32
        %dma_start3A_525 = tpu.memref_slice %arg5[%squeeze3A_518, %dma_start3A_524] : memref<8x1024xf32, #tpu.memory_space<vmem>> -> memref<1x1024xf32, #tpu.memory_space<vmem>>
        %dma_start3A_526 = tpu.memref_squeeze %dma_start3A_525 : memref<1x1024xf32, #tpu.memory_space<vmem>> -> memref<1024xf32, #tpu.memory_space<vmem>>
        %dma_start3A_527 = arith.constant 0 : i32
        %dma_start3A_528 = tpu.memref_slice %arg4[%add3A_523, %dma_start3A_527] : memref<32768x1024xf32, #tpu.memory_space<hbm>> -> memref<1x1024xf32, #tpu.memory_space<hbm>>
        %dma_start3A_529 = tpu.memref_squeeze %dma_start3A_528 : memref<1x1024xf32, #tpu.memory_space<hbm>> -> memref<1024xf32, #tpu.memory_space<hbm>>
        %dma_start3A_530 = arith.constant 0 : i32
        %dma_start3A_531 = tpu.memref_slice %arg4[%add3A_523, %dma_start3A_530] : memref<32768x1024xf32, #tpu.memory_space<hbm>> -> memref<1x1024xf32, #tpu.memory_space<hbm>>
        %dma_start3A_532 = tpu.memref_squeeze %dma_start3A_531 : memref<1x1024xf32, #tpu.memory_space<hbm>> -> memref<1024xf32, #tpu.memory_space<hbm>>
        %dma_start3A_533 = arith.constant 0 : i32
        %dma_start3A_534 = tpu.memref_slice %arg5[%squeeze3A_518, %dma_start3A_533] : memref<8x1024xf32, #tpu.memory_space<vmem>> -> memref<1x1024xf32, #tpu.memory_space<vmem>>
        %dma_start3A_535 = tpu.memref_squeeze %dma_start3A_534 : memref<1x1024xf32, #tpu.memory_space<vmem>> -> memref<1024xf32, #tpu.memory_space<vmem>>
        tpu.enqueue_dma source(%dma_start3A_535 : memref<1024xf32, #tpu.memory_space<vmem>>) target(%dma_start3A_532 : memref<1024xf32, #tpu.memory_space<hbm>>) target_semaphore(%arg7 : memref<!tpu.dma_semaphore, #tpu.memory_space<semaphore_mem>>)
        %slice3A_536 = vector.extract_strided_slice %get3A_516 {offsets = [1], sizes = [1], strides = [1]} : vector<16xi32> to vector<1xi32>
        %squeeze3A_537 = vector.extract %slice3A_536[0] : i32 from vector<1xi32>
        %mul3A_538 = arith.constant 16 : i32
        %mul3A_539 = arith.muli %add3A_511, %mul3A_538 : i32
        %add3A_540 = arith.addi %mul3A_2, %mul3A_539 : i32
        %add3A_541 = arith.constant 1 : i32
        %add3A_542 = arith.addi %add3A_540, %add3A_541 : i32
        %dma_start3A_543 = arith.constant 0 : i32
        %dma_start3A_544 = tpu.memref_slice %arg5[%squeeze3A_537, %dma_start3A_543] : memref<8x1024xf32, #tpu.memory_space<vmem>> -> memref<1x1024xf32, #tpu.memory_space<vmem>>
        %dma_start3A_545 = tpu.memref_squeeze %dma_start3A_544 : memref<1x1024xf32, #tpu.memory_space<vmem>> -> memref<1024xf32, #tpu.memory_space<vmem>>
        %dma_start3A_546 = arith.constant 0 : i32
        %dma_start3A_547 = tpu.memref_slice %arg4[%add3A_542, %dma_start3A_546] : memref<32768x1024xf32, #tpu.memory_space<hbm>> -> memref<1x1024xf32, #tpu.memory_space<hbm>>
        %dma_start3A_548 = tpu.memref_squeeze %dma_start3A_547 : memref<1x1024xf32, #tpu.memory_space<hbm>> -> memref<1024xf32, #tpu.memory_space<hbm>>
        %dma_start3A_549 = arith.constant 0 : i32
        %dma_start3A_550 = tpu.memref_slice %arg4[%add3A_542, %dma_start3A_549] : memref<32768x1024xf32, #tpu.memory_space<hbm>> -> memref<1x1024xf32, #tpu.memory_space<hbm>>
        %dma_start3A_551 = tpu.memref_squeeze %dma_start3A_550 : memref<1x1024xf32, #tpu.memory_space<hbm>> -> memref<1024xf32, #tpu.memory_space<hbm>>
        %dma_start3A_552 = arith.constant 0 : i32
        %dma_start3A_553 = tpu.memref_slice %arg5[%squeeze3A_537, %dma_start3A_552] : memref<8x1024xf32, #tpu.memory_space<vmem>> -> memref<1x1024xf32, #tpu.memory_space<vmem>>
        %dma_start3A_554 = tpu.memref_squeeze %dma_start3A_553 : memref<1x1024xf32, #tpu.memory_space<vmem>> -> memref<1024xf32, #tpu.memory_space<vmem>>
        tpu.enqueue_dma source(%dma_start3A_554 : memref<1024xf32, #tpu.memory_space<vmem>>) target(%dma_start3A_551 : memref<1024xf32, #tpu.memory_space<hbm>>) target_semaphore(%arg7 : memref<!tpu.dma_semaphore, #tpu.memory_space<semaphore_mem>>)
        %slice3A_555 = vector.extract_strided_slice %get3A_516 {offsets = [2], sizes = [1], strides = [1]} : vector<16xi32> to vector<1xi32>
        %squeeze3A_556 = vector.extract %slice3A_555[0] : i32 from vector<1xi32>
        %mul3A_557 = arith.constant 16 : i32
        %mul3A_558 = arith.muli %add3A_511, %mul3A_557 : i32
        %add3A_559 = arith.addi %mul3A_2, %mul3A_558 : i32
        %add3A_560 = arith.constant 2 : i32
        %add3A_561 = arith.addi %add3A_559, %add3A_560 : i32
        %dma_start3A_562 = arith.constant 0 : i32
        %dma_start3A_563 = tpu.memref_slice %arg5[%squeeze3A_556, %dma_start3A_562] : memref<8x1024xf32, #tpu.memory_space<vmem>> -> memref<1x1024xf32, #tpu.memory_space<vmem>>
        %dma_start3A_564 = tpu.memref_squeeze %dma_start3A_563 : memref<1x1024xf32, #tpu.memory_space<vmem>> -> memref<1024xf32, #tpu.memory_space<vmem>>
        %dma_start3A_565 = arith.constant 0 : i32
        %dma_start3A_566 = tpu.memref_slice %arg4[%add3A_561, %dma_start3A_565] : memref<32768x1024xf32, #tpu.memory_space<hbm>> -> memref<1x1024xf32, #tpu.memory_space<hbm>>
        %dma_start3A_567 = tpu.memref_squeeze %dma_start3A_566 : memref<1x1024xf32, #tpu.memory_space<hbm>> -> memref<1024xf32, #tpu.memory_space<hbm>>
        %dma_start3A_568 = arith.constant 0 : i32
        %dma_start3A_569 = tpu.memref_slice %arg4[%add3A_561, %dma_start3A_568] : memref<32768x1024xf32, #tpu.memory_space<hbm>> -> memref<1x1024xf32, #tpu.memory_space<hbm>>
        %dma_start3A_570 = tpu.memref_squeeze %dma_start3A_569 : memref<1x1024xf32, #tpu.memory_space<hbm>> -> memref<1024xf32, #tpu.memory_space<hbm>>
        %dma_start3A_571 = arith.constant 0 : i32
        %dma_start3A_572 = tpu.memref_slice %arg5[%squeeze3A_556, %dma_start3A_571] : memref<8x1024xf32, #tpu.memory_space<vmem>> -> memref<1x1024xf32, #tpu.memory_space<vmem>>
        %dma_start3A_573 = tpu.memref_squeeze %dma_start3A_572 : memref<1x1024xf32, #tpu.memory_space<vmem>> -> memref<1024xf32, #tpu.memory_space<vmem>>
        tpu.enqueue_dma source(%dma_start3A_573 : memref<1024xf32, #tpu.memory_space<vmem>>) target(%dma_start3A_570 : memref<1024xf32, #tpu.memory_space<hbm>>) target_semaphore(%arg7 : memref<!tpu.dma_semaphore, #tpu.memory_space<semaphore_mem>>)
        %slice3A_574 = vector.extract_strided_slice %get3A_516 {offsets = [3], sizes = [1], strides = [1]} : vector<16xi32> to vector<1xi32>
        %squeeze3A_575 = vector.extract %slice3A_574[0] : i32 from vector<1xi32>
        %mul3A_576 = arith.constant 16 : i32
        %mul3A_577 = arith.muli %add3A_511, %mul3A_576 : i32
        %add3A_578 = arith.addi %mul3A_2, %mul3A_577 : i32
        %add3A_579 = arith.constant 3 : i32
        %add3A_580 = arith.addi %add3A_578, %add3A_579 : i32
        %dma_start3A_581 = arith.constant 0 : i32
        %dma_start3A_582 = tpu.memref_slice %arg5[%squeeze3A_575, %dma_start3A_581] : memref<8x1024xf32, #tpu.memory_space<vmem>> -> memref<1x1024xf32, #tpu.memory_space<vmem>>
        %dma_start3A_583 = tpu.memref_squeeze %dma_start3A_582 : memref<1x1024xf32, #tpu.memory_space<vmem>> -> memref<1024xf32, #tpu.memory_space<vmem>>
        %dma_start3A_584 = arith.constant 0 : i32
        %dma_start3A_585 = tpu.memref_slice %arg4[%add3A_580, %dma_start3A_584] : memref<32768x1024xf32, #tpu.memory_space<hbm>> -> memref<1x1024xf32, #tpu.memory_space<hbm>>
        %dma_start3A_586 = tpu.memref_squeeze %dma_start3A_585 : memref<1x1024xf32, #tpu.memory_space<hbm>> -> memref<1024xf32, #tpu.memory_space<hbm>>
        %dma_start3A_587 = arith.constant 0 : i32
        %dma_start3A_588 = tpu.memref_slice %arg4[%add3A_580, %dma_start3A_587] : memref<32768x1024xf32, #tpu.memory_space<hbm>> -> memref<1x1024xf32, #tpu.memory_space<hbm>>
        %dma_start3A_589 = tpu.memref_squeeze %dma_start3A_588 : memref<1x1024xf32, #tpu.memory_space<hbm>> -> memref<1024xf32, #tpu.memory_space<hbm>>
        %dma_start3A_590 = arith.constant 0 : i32
        %dma_start3A_591 = tpu.memref_slice %arg5[%squeeze3A_575, %dma_start3A_590] : memref<8x1024xf32, #tpu.memory_space<vmem>> -> memref<1x1024xf32, #tpu.memory_space<vmem>>
        %dma_start3A_592 = tpu.memref_squeeze %dma_start3A_591 : memref<1x1024xf32, #tpu.memory_space<vmem>> -> memref<1024xf32, #tpu.memory_space<vmem>>
        tpu.enqueue_dma source(%dma_start3A_592 : memref<1024xf32, #tpu.memory_space<vmem>>) target(%dma_start3A_589 : memref<1024xf32, #tpu.memory_space<hbm>>) target_semaphore(%arg7 : memref<!tpu.dma_semaphore, #tpu.memory_space<semaphore_mem>>)
        %slice3A_593 = vector.extract_strided_slice %get3A_516 {offsets = [4], sizes = [1], strides = [1]} : vector<16xi32> to vector<1xi32>
        %squeeze3A_594 = vector.extract %slice3A_593[0] : i32 from vector<1xi32>
        %mul3A_595 = arith.constant 16 : i32
        %mul3A_596 = arith.muli %add3A_511, %mul3A_595 : i32
        %add3A_597 = arith.addi %mul3A_2, %mul3A_596 : i32
        %add3A_598 = arith.constant 4 : i32
        %add3A_599 = arith.addi %add3A_597, %add3A_598 : i32
        %dma_start3A_600 = arith.constant 0 : i32
        %dma_start3A_601 = tpu.memref_slice %arg5[%squeeze3A_594, %dma_start3A_600] : memref<8x1024xf32, #tpu.memory_space<vmem>> -> memref<1x1024xf32, #tpu.memory_space<vmem>>
        %dma_start3A_602 = tpu.memref_squeeze %dma_start3A_601 : memref<1x1024xf32, #tpu.memory_space<vmem>> -> memref<1024xf32, #tpu.memory_space<vmem>>
        %dma_start3A_603 = arith.constant 0 : i32
        %dma_start3A_604 = tpu.memref_slice %arg4[%add3A_599, %dma_start3A_603] : memref<32768x1024xf32, #tpu.memory_space<hbm>> -> memref<1x1024xf32, #tpu.memory_space<hbm>>
        %dma_start3A_605 = tpu.memref_squeeze %dma_start3A_604 : memref<1x1024xf32, #tpu.memory_space<hbm>> -> memref<1024xf32, #tpu.memory_space<hbm>>
        %dma_start3A_606 = arith.constant 0 : i32
        %dma_start3A_607 = tpu.memref_slice %arg4[%add3A_599, %dma_start3A_606] : memref<32768x1024xf32, #tpu.memory_space<hbm>> -> memref<1x1024xf32, #tpu.memory_space<hbm>>
        %dma_start3A_608 = tpu.memref_squeeze %dma_start3A_607 : memref<1x1024xf32, #tpu.memory_space<hbm>> -> memref<1024xf32, #tpu.memory_space<hbm>>
        %dma_start3A_609 = arith.constant 0 : i32
        %dma_start3A_610 = tpu.memref_slice %arg5[%squeeze3A_594, %dma_start3A_609] : memref<8x1024xf32, #tpu.memory_space<vmem>> -> memref<1x1024xf32, #tpu.memory_space<vmem>>
        %dma_start3A_611 = tpu.memref_squeeze %dma_start3A_610 : memref<1x1024xf32, #tpu.memory_space<vmem>> -> memref<1024xf32, #tpu.memory_space<vmem>>
        tpu.enqueue_dma source(%dma_start3A_611 : memref<1024xf32, #tpu.memory_space<vmem>>) target(%dma_start3A_608 : memref<1024xf32, #tpu.memory_space<hbm>>) target_semaphore(%arg7 : memref<!tpu.dma_semaphore, #tpu.memory_space<semaphore_mem>>)
        %slice3A_612 = vector.extract_strided_slice %get3A_516 {offsets = [5], sizes = [1], strides = [1]} : vector<16xi32> to vector<1xi32>
        %squeeze3A_613 = vector.extract %slice3A_612[0] : i32 from vector<1xi32>
        %mul3A_614 = arith.constant 16 : i32
        %mul3A_615 = arith.muli %add3A_511, %mul3A_614 : i32
        %add3A_616 = arith.addi %mul3A_2, %mul3A_615 : i32
        %add3A_617 = arith.constant 5 : i32
        %add3A_618 = arith.addi %add3A_616, %add3A_617 : i32
        %dma_start3A_619 = arith.constant 0 : i32
        %dma_start3A_620 = tpu.memref_slice %arg5[%squeeze3A_613, %dma_start3A_619] : memref<8x1024xf32, #tpu.memory_space<vmem>> -> memref<1x1024xf32, #tpu.memory_space<vmem>>
        %dma_start3A_621 = tpu.memref_squeeze %dma_start3A_620 : memref<1x1024xf32, #tpu.memory_space<vmem>> -> memref<1024xf32, #tpu.memory_space<vmem>>
        %dma_start3A_622 = arith.constant 0 : i32
        %dma_start3A_623 = tpu.memref_slice %arg4[%add3A_618, %dma_start3A_622] : memref<32768x1024xf32, #tpu.memory_space<hbm>> -> memref<1x1024xf32, #tpu.memory_space<hbm>>
        %dma_start3A_624 = tpu.memref_squeeze %dma_start3A_623 : memref<1x1024xf32, #tpu.memory_space<hbm>> -> memref<1024xf32, #tpu.memory_space<hbm>>
        %dma_start3A_625 = arith.constant 0 : i32
        %dma_start3A_626 = tpu.memref_slice %arg4[%add3A_618, %dma_start3A_625] : memref<32768x1024xf32, #tpu.memory_space<hbm>> -> memref<1x1024xf32, #tpu.memory_space<hbm>>
        %dma_start3A_627 = tpu.memref_squeeze %dma_start3A_626 : memref<1x1024xf32, #tpu.memory_space<hbm>> -> memref<1024xf32, #tpu.memory_space<hbm>>
        %dma_start3A_628 = arith.constant 0 : i32
        %dma_start3A_629 = tpu.memref_slice %arg5[%squeeze3A_613, %dma_start3A_628] : memref<8x1024xf32, #tpu.memory_space<vmem>> -> memref<1x1024xf32, #tpu.memory_space<vmem>>
        %dma_start3A_630 = tpu.memref_squeeze %dma_start3A_629 : memref<1x1024xf32, #tpu.memory_space<vmem>> -> memref<1024xf32, #tpu.memory_space<vmem>>
        tpu.enqueue_dma source(%dma_start3A_630 : memref<1024xf32, #tpu.memory_space<vmem>>) target(%dma_start3A_627 : memref<1024xf32, #tpu.memory_space<hbm>>) target_semaphore(%arg7 : memref<!tpu.dma_semaphore, #tpu.memory_space<semaphore_mem>>)
        %slice3A_631 = vector.extract_strided_slice %get3A_516 {offsets = [6], sizes = [1], strides = [1]} : vector<16xi32> to vector<1xi32>
        %squeeze3A_632 = vector.extract %slice3A_631[0] : i32 from vector<1xi32>
        %mul3A_633 = arith.constant 16 : i32
        %mul3A_634 = arith.muli %add3A_511, %mul3A_633 : i32
        %add3A_635 = arith.addi %mul3A_2, %mul3A_634 : i32
        %add3A_636 = arith.constant 6 : i32
        %add3A_637 = arith.addi %add3A_635, %add3A_636 : i32
        %dma_start3A_638 = arith.constant 0 : i32
        %dma_start3A_639 = tpu.memref_slice %arg5[%squeeze3A_632, %dma_start3A_638] : memref<8x1024xf32, #tpu.memory_space<vmem>> -> memref<1x1024xf32, #tpu.memory_space<vmem>>
        %dma_start3A_640 = tpu.memref_squeeze %dma_start3A_639 : memref<1x1024xf32, #tpu.memory_space<vmem>> -> memref<1024xf32, #tpu.memory_space<vmem>>
        %dma_start3A_641 = arith.constant 0 : i32
        %dma_start3A_642 = tpu.memref_slice %arg4[%add3A_637, %dma_start3A_641] : memref<32768x1024xf32, #tpu.memory_space<hbm>> -> memref<1x1024xf32, #tpu.memory_space<hbm>>
        %dma_start3A_643 = tpu.memref_squeeze %dma_start3A_642 : memref<1x1024xf32, #tpu.memory_space<hbm>> -> memref<1024xf32, #tpu.memory_space<hbm>>
        %dma_start3A_644 = arith.constant 0 : i32
        %dma_start3A_645 = tpu.memref_slice %arg4[%add3A_637, %dma_start3A_644] : memref<32768x1024xf32, #tpu.memory_space<hbm>> -> memref<1x1024xf32, #tpu.memory_space<hbm>>
        %dma_start3A_646 = tpu.memref_squeeze %dma_start3A_645 : memref<1x1024xf32, #tpu.memory_space<hbm>> -> memref<1024xf32, #tpu.memory_space<hbm>>
        %dma_start3A_647 = arith.constant 0 : i32
        %dma_start3A_648 = tpu.memref_slice %arg5[%squeeze3A_632, %dma_start3A_647] : memref<8x1024xf32, #tpu.memory_space<vmem>> -> memref<1x1024xf32, #tpu.memory_space<vmem>>
        %dma_start3A_649 = tpu.memref_squeeze %dma_start3A_648 : memref<1x1024xf32, #tpu.memory_space<vmem>> -> memref<1024xf32, #tpu.memory_space<vmem>>
        tpu.enqueue_dma source(%dma_start3A_649 : memref<1024xf32, #tpu.memory_space<vmem>>) target(%dma_start3A_646 : memref<1024xf32, #tpu.memory_space<hbm>>) target_semaphore(%arg7 : memref<!tpu.dma_semaphore, #tpu.memory_space<semaphore_mem>>)
        %slice3A_650 = vector.extract_strided_slice %get3A_516 {offsets = [7], sizes = [1], strides = [1]} : vector<16xi32> to vector<1xi32>
        %squeeze3A_651 = vector.extract %slice3A_650[0] : i32 from vector<1xi32>
        %mul3A_652 = arith.constant 16 : i32
        %mul3A_653 = arith.muli %add3A_511, %mul3A_652 : i32
        %add3A_654 = arith.addi %mul3A_2, %mul3A_653 : i32
        %add3A_655 = arith.constant 7 : i32
        %add3A_656 = arith.addi %add3A_654, %add3A_655 : i32
        %dma_start3A_657 = arith.constant 0 : i32
        %dma_start3A_658 = tpu.memref_slice %arg5[%squeeze3A_651, %dma_start3A_657] : memref<8x1024xf32, #tpu.memory_space<vmem>> -> memref<1x1024xf32, #tpu.memory_space<vmem>>
        %dma_start3A_659 = tpu.memref_squeeze %dma_start3A_658 : memref<1x1024xf32, #tpu.memory_space<vmem>> -> memref<1024xf32, #tpu.memory_space<vmem>>
        %dma_start3A_660 = arith.constant 0 : i32
        %dma_start3A_661 = tpu.memref_slice %arg4[%add3A_656, %dma_start3A_660] : memref<32768x1024xf32, #tpu.memory_space<hbm>> -> memref<1x1024xf32, #tpu.memory_space<hbm>>
        %dma_start3A_662 = tpu.memref_squeeze %dma_start3A_661 : memref<1x1024xf32, #tpu.memory_space<hbm>> -> memref<1024xf32, #tpu.memory_space<hbm>>
        %dma_start3A_663 = arith.constant 0 : i32
        %dma_start3A_664 = tpu.memref_slice %arg4[%add3A_656, %dma_start3A_663] : memref<32768x1024xf32, #tpu.memory_space<hbm>> -> memref<1x1024xf32, #tpu.memory_space<hbm>>
        %dma_start3A_665 = tpu.memref_squeeze %dma_start3A_664 : memref<1x1024xf32, #tpu.memory_space<hbm>> -> memref<1024xf32, #tpu.memory_space<hbm>>
        %dma_start3A_666 = arith.constant 0 : i32
        %dma_start3A_667 = tpu.memref_slice %arg5[%squeeze3A_651, %dma_start3A_666] : memref<8x1024xf32, #tpu.memory_space<vmem>> -> memref<1x1024xf32, #tpu.memory_space<vmem>>
        %dma_start3A_668 = tpu.memref_squeeze %dma_start3A_667 : memref<1x1024xf32, #tpu.memory_space<vmem>> -> memref<1024xf32, #tpu.memory_space<vmem>>
        tpu.enqueue_dma source(%dma_start3A_668 : memref<1024xf32, #tpu.memory_space<vmem>>) target(%dma_start3A_665 : memref<1024xf32, #tpu.memory_space<hbm>>) target_semaphore(%arg7 : memref<!tpu.dma_semaphore, #tpu.memory_space<semaphore_mem>>)
        %slice3A_669 = vector.extract_strided_slice %get3A_516 {offsets = [8], sizes = [1], strides = [1]} : vector<16xi32> to vector<1xi32>
        %squeeze3A_670 = vector.extract %slice3A_669[0] : i32 from vector<1xi32>
        %mul3A_671 = arith.constant 16 : i32
        %mul3A_672 = arith.muli %add3A_511, %mul3A_671 : i32
        %add3A_673 = arith.addi %mul3A_2, %mul3A_672 : i32
        %add3A_674 = arith.constant 8 : i32
        %add3A_675 = arith.addi %add3A_673, %add3A_674 : i32
        %dma_start3A_676 = arith.constant 0 : i32
        %dma_start3A_677 = tpu.memref_slice %arg5[%squeeze3A_670, %dma_start3A_676] : memref<8x1024xf32, #tpu.memory_space<vmem>> -> memref<1x1024xf32, #tpu.memory_space<vmem>>
        %dma_start3A_678 = tpu.memref_squeeze %dma_start3A_677 : memref<1x1024xf32, #tpu.memory_space<vmem>> -> memref<1024xf32, #tpu.memory_space<vmem>>
        %dma_start3A_679 = arith.constant 0 : i32
        %dma_start3A_680 = tpu.memref_slice %arg4[%add3A_675, %dma_start3A_679] : memref<32768x1024xf32, #tpu.memory_space<hbm>> -> memref<1x1024xf32, #tpu.memory_space<hbm>>
        %dma_start3A_681 = tpu.memref_squeeze %dma_start3A_680 : memref<1x1024xf32, #tpu.memory_space<hbm>> -> memref<1024xf32, #tpu.memory_space<hbm>>
        %dma_start3A_682 = arith.constant 0 : i32
        %dma_start3A_683 = tpu.memref_slice %arg4[%add3A_675, %dma_start3A_682] : memref<32768x1024xf32, #tpu.memory_space<hbm>> -> memref<1x1024xf32, #tpu.memory_space<hbm>>
        %dma_start3A_684 = tpu.memref_squeeze %dma_start3A_683 : memref<1x1024xf32, #tpu.memory_space<hbm>> -> memref<1024xf32, #tpu.memory_space<hbm>>
        %dma_start3A_685 = arith.constant 0 : i32
        %dma_start3A_686 = tpu.memref_slice %arg5[%squeeze3A_670, %dma_start3A_685] : memref<8x1024xf32, #tpu.memory_space<vmem>> -> memref<1x1024xf32, #tpu.memory_space<vmem>>
        %dma_start3A_687 = tpu.memref_squeeze %dma_start3A_686 : memref<1x1024xf32, #tpu.memory_space<vmem>> -> memref<1024xf32, #tpu.memory_space<vmem>>
        tpu.enqueue_dma source(%dma_start3A_687 : memref<1024xf32, #tpu.memory_space<vmem>>) target(%dma_start3A_684 : memref<1024xf32, #tpu.memory_space<hbm>>) target_semaphore(%arg7 : memref<!tpu.dma_semaphore, #tpu.memory_space<semaphore_mem>>)
        %slice3A_688 = vector.extract_strided_slice %get3A_516 {offsets = [9], sizes = [1], strides = [1]} : vector<16xi32> to vector<1xi32>
        %squeeze3A_689 = vector.extract %slice3A_688[0] : i32 from vector<1xi32>
        %mul3A_690 = arith.constant 16 : i32
        %mul3A_691 = arith.muli %add3A_511, %mul3A_690 : i32
        %add3A_692 = arith.addi %mul3A_2, %mul3A_691 : i32
        %add3A_693 = arith.constant 9 : i32
        %add3A_694 = arith.addi %add3A_692, %add3A_693 : i32
        %dma_start3A_695 = arith.constant 0 : i32
        %dma_start3A_696 = tpu.memref_slice %arg5[%squeeze3A_689, %dma_start3A_695] : memref<8x1024xf32, #tpu.memory_space<vmem>> -> memref<1x1024xf32, #tpu.memory_space<vmem>>
        %dma_start3A_697 = tpu.memref_squeeze %dma_start3A_696 : memref<1x1024xf32, #tpu.memory_space<vmem>> -> memref<1024xf32, #tpu.memory_space<vmem>>
        %dma_start3A_698 = arith.constant 0 : i32
        %dma_start3A_699 = tpu.memref_slice %arg4[%add3A_694, %dma_start3A_698] : memref<32768x1024xf32, #tpu.memory_space<hbm>> -> memref<1x1024xf32, #tpu.memory_space<hbm>>
        %dma_start3A_700 = tpu.memref_squeeze %dma_start3A_699 : memref<1x1024xf32, #tpu.memory_space<hbm>> -> memref<1024xf32, #tpu.memory_space<hbm>>
        %dma_start3A_701 = arith.constant 0 : i32
        %dma_start3A_702 = tpu.memref_slice %arg4[%add3A_694, %dma_start3A_701] : memref<32768x1024xf32, #tpu.memory_space<hbm>> -> memref<1x1024xf32, #tpu.memory_space<hbm>>
        %dma_start3A_703 = tpu.memref_squeeze %dma_start3A_702 : memref<1x1024xf32, #tpu.memory_space<hbm>> -> memref<1024xf32, #tpu.memory_space<hbm>>
        %dma_start3A_704 = arith.constant 0 : i32
        %dma_start3A_705 = tpu.memref_slice %arg5[%squeeze3A_689, %dma_start3A_704] : memref<8x1024xf32, #tpu.memory_space<vmem>> -> memref<1x1024xf32, #tpu.memory_space<vmem>>
        %dma_start3A_706 = tpu.memref_squeeze %dma_start3A_705 : memref<1x1024xf32, #tpu.memory_space<vmem>> -> memref<1024xf32, #tpu.memory_space<vmem>>
        tpu.enqueue_dma source(%dma_start3A_706 : memref<1024xf32, #tpu.memory_space<vmem>>) target(%dma_start3A_703 : memref<1024xf32, #tpu.memory_space<hbm>>) target_semaphore(%arg7 : memref<!tpu.dma_semaphore, #tpu.memory_space<semaphore_mem>>)
        %slice3A_707 = vector.extract_strided_slice %get3A_516 {offsets = [10], sizes = [1], strides = [1]} : vector<16xi32> to vector<1xi32>
        %squeeze3A_708 = vector.extract %slice3A_707[0] : i32 from vector<1xi32>
        %mul3A_709 = arith.constant 16 : i32
        %mul3A_710 = arith.muli %add3A_511, %mul3A_709 : i32
        %add3A_711 = arith.addi %mul3A_2, %mul3A_710 : i32
        %add3A_712 = arith.constant 10 : i32
        %add3A_713 = arith.addi %add3A_711, %add3A_712 : i32
        %dma_start3A_714 = arith.constant 0 : i32
        %dma_start3A_715 = tpu.memref_slice %arg5[%squeeze3A_708, %dma_start3A_714] : memref<8x1024xf32, #tpu.memory_space<vmem>> -> memref<1x1024xf32, #tpu.memory_space<vmem>>
        %dma_start3A_716 = tpu.memref_squeeze %dma_start3A_715 : memref<1x1024xf32, #tpu.memory_space<vmem>> -> memref<1024xf32, #tpu.memory_space<vmem>>
        %dma_start3A_717 = arith.constant 0 : i32
        %dma_start3A_718 = tpu.memref_slice %arg4[%add3A_713, %dma_start3A_717] : memref<32768x1024xf32, #tpu.memory_space<hbm>> -> memref<1x1024xf32, #tpu.memory_space<hbm>>
        %dma_start3A_719 = tpu.memref_squeeze %dma_start3A_718 : memref<1x1024xf32, #tpu.memory_space<hbm>> -> memref<1024xf32, #tpu.memory_space<hbm>>
        %dma_start3A_720 = arith.constant 0 : i32
        %dma_start3A_721 = tpu.memref_slice %arg4[%add3A_713, %dma_start3A_720] : memref<32768x1024xf32, #tpu.memory_space<hbm>> -> memref<1x1024xf32, #tpu.memory_space<hbm>>
        %dma_start3A_722 = tpu.memref_squeeze %dma_start3A_721 : memref<1x1024xf32, #tpu.memory_space<hbm>> -> memref<1024xf32, #tpu.memory_space<hbm>>
        %dma_start3A_723 = arith.constant 0 : i32
        %dma_start3A_724 = tpu.memref_slice %arg5[%squeeze3A_708, %dma_start3A_723] : memref<8x1024xf32, #tpu.memory_space<vmem>> -> memref<1x1024xf32, #tpu.memory_space<vmem>>
        %dma_start3A_725 = tpu.memref_squeeze %dma_start3A_724 : memref<1x1024xf32, #tpu.memory_space<vmem>> -> memref<1024xf32, #tpu.memory_space<vmem>>
        tpu.enqueue_dma source(%dma_start3A_725 : memref<1024xf32, #tpu.memory_space<vmem>>) target(%dma_start3A_722 : memref<1024xf32, #tpu.memory_space<hbm>>) target_semaphore(%arg7 : memref<!tpu.dma_semaphore, #tpu.memory_space<semaphore_mem>>)
        %slice3A_726 = vector.extract_strided_slice %get3A_516 {offsets = [11], sizes = [1], strides = [1]} : vector<16xi32> to vector<1xi32>
        %squeeze3A_727 = vector.extract %slice3A_726[0] : i32 from vector<1xi32>
        %mul3A_728 = arith.constant 16 : i32
        %mul3A_729 = arith.muli %add3A_511, %mul3A_728 : i32
        %add3A_730 = arith.addi %mul3A_2, %mul3A_729 : i32
        %add3A_731 = arith.constant 11 : i32
        %add3A_732 = arith.addi %add3A_730, %add3A_731 : i32
        %dma_start3A_733 = arith.constant 0 : i32
        %dma_start3A_734 = tpu.memref_slice %arg5[%squeeze3A_727, %dma_start3A_733] : memref<8x1024xf32, #tpu.memory_space<vmem>> -> memref<1x1024xf32, #tpu.memory_space<vmem>>
        %dma_start3A_735 = tpu.memref_squeeze %dma_start3A_734 : memref<1x1024xf32, #tpu.memory_space<vmem>> -> memref<1024xf32, #tpu.memory_space<vmem>>
        %dma_start3A_736 = arith.constant 0 : i32
        %dma_start3A_737 = tpu.memref_slice %arg4[%add3A_732, %dma_start3A_736] : memref<32768x1024xf32, #tpu.memory_space<hbm>> -> memref<1x1024xf32, #tpu.memory_space<hbm>>
        %dma_start3A_738 = tpu.memref_squeeze %dma_start3A_737 : memref<1x1024xf32, #tpu.memory_space<hbm>> -> memref<1024xf32, #tpu.memory_space<hbm>>
        %dma_start3A_739 = arith.constant 0 : i32
        %dma_start3A_740 = tpu.memref_slice %arg4[%add3A_732, %dma_start3A_739] : memref<32768x1024xf32, #tpu.memory_space<hbm>> -> memref<1x1024xf32, #tpu.memory_space<hbm>>
        %dma_start3A_741 = tpu.memref_squeeze %dma_start3A_740 : memref<1x1024xf32, #tpu.memory_space<hbm>> -> memref<1024xf32, #tpu.memory_space<hbm>>
        %dma_start3A_742 = arith.constant 0 : i32
        %dma_start3A_743 = tpu.memref_slice %arg5[%squeeze3A_727, %dma_start3A_742] : memref<8x1024xf32, #tpu.memory_space<vmem>> -> memref<1x1024xf32, #tpu.memory_space<vmem>>
        %dma_start3A_744 = tpu.memref_squeeze %dma_start3A_743 : memref<1x1024xf32, #tpu.memory_space<vmem>> -> memref<1024xf32, #tpu.memory_space<vmem>>
        tpu.enqueue_dma source(%dma_start3A_744 : memref<1024xf32, #tpu.memory_space<vmem>>) target(%dma_start3A_741 : memref<1024xf32, #tpu.memory_space<hbm>>) target_semaphore(%arg7 : memref<!tpu.dma_semaphore, #tpu.memory_space<semaphore_mem>>)
        %slice3A_745 = vector.extract_strided_slice %get3A_516 {offsets = [12], sizes = [1], strides = [1]} : vector<16xi32> to vector<1xi32>
        %squeeze3A_746 = vector.extract %slice3A_745[0] : i32 from vector<1xi32>
        %mul3A_747 = arith.constant 16 : i32
        %mul3A_748 = arith.muli %add3A_511, %mul3A_747 : i32
        %add3A_749 = arith.addi %mul3A_2, %mul3A_748 : i32
        %add3A_750 = arith.constant 12 : i32
        %add3A_751 = arith.addi %add3A_749, %add3A_750 : i32
        %dma_start3A_752 = arith.constant 0 : i32
        %dma_start3A_753 = tpu.memref_slice %arg5[%squeeze3A_746, %dma_start3A_752] : memref<8x1024xf32, #tpu.memory_space<vmem>> -> memref<1x1024xf32, #tpu.memory_space<vmem>>
        %dma_start3A_754 = tpu.memref_squeeze %dma_start3A_753 : memref<1x1024xf32, #tpu.memory_space<vmem>> -> memref<1024xf32, #tpu.memory_space<vmem>>
        %dma_start3A_755 = arith.constant 0 : i32
        %dma_start3A_756 = tpu.memref_slice %arg4[%add3A_751, %dma_start3A_755] : memref<32768x1024xf32, #tpu.memory_space<hbm>> -> memref<1x1024xf32, #tpu.memory_space<hbm>>
        %dma_start3A_757 = tpu.memref_squeeze %dma_start3A_756 : memref<1x1024xf32, #tpu.memory_space<hbm>> -> memref<1024xf32, #tpu.memory_space<hbm>>
        %dma_start3A_758 = arith.constant 0 : i32
        %dma_start3A_759 = tpu.memref_slice %arg4[%add3A_751, %dma_start3A_758] : memref<32768x1024xf32, #tpu.memory_space<hbm>> -> memref<1x1024xf32, #tpu.memory_space<hbm>>
        %dma_start3A_760 = tpu.memref_squeeze %dma_start3A_759 : memref<1x1024xf32, #tpu.memory_space<hbm>> -> memref<1024xf32, #tpu.memory_space<hbm>>
        %dma_start3A_761 = arith.constant 0 : i32
        %dma_start3A_762 = tpu.memref_slice %arg5[%squeeze3A_746, %dma_start3A_761] : memref<8x1024xf32, #tpu.memory_space<vmem>> -> memref<1x1024xf32, #tpu.memory_space<vmem>>
        %dma_start3A_763 = tpu.memref_squeeze %dma_start3A_762 : memref<1x1024xf32, #tpu.memory_space<vmem>> -> memref<1024xf32, #tpu.memory_space<vmem>>
        tpu.enqueue_dma source(%dma_start3A_763 : memref<1024xf32, #tpu.memory_space<vmem>>) target(%dma_start3A_760 : memref<1024xf32, #tpu.memory_space<hbm>>) target_semaphore(%arg7 : memref<!tpu.dma_semaphore, #tpu.memory_space<semaphore_mem>>)
        %slice3A_764 = vector.extract_strided_slice %get3A_516 {offsets = [13], sizes = [1], strides = [1]} : vector<16xi32> to vector<1xi32>
        %squeeze3A_765 = vector.extract %slice3A_764[0] : i32 from vector<1xi32>
        %mul3A_766 = arith.constant 16 : i32
        %mul3A_767 = arith.muli %add3A_511, %mul3A_766 : i32
        %add3A_768 = arith.addi %mul3A_2, %mul3A_767 : i32
        %add3A_769 = arith.constant 13 : i32
        %add3A_770 = arith.addi %add3A_768, %add3A_769 : i32
        %dma_start3A_771 = arith.constant 0 : i32
        %dma_start3A_772 = tpu.memref_slice %arg5[%squeeze3A_765, %dma_start3A_771] : memref<8x1024xf32, #tpu.memory_space<vmem>> -> memref<1x1024xf32, #tpu.memory_space<vmem>>
        %dma_start3A_773 = tpu.memref_squeeze %dma_start3A_772 : memref<1x1024xf32, #tpu.memory_space<vmem>> -> memref<1024xf32, #tpu.memory_space<vmem>>
        %dma_start3A_774 = arith.constant 0 : i32
        %dma_start3A_775 = tpu.memref_slice %arg4[%add3A_770, %dma_start3A_774] : memref<32768x1024xf32, #tpu.memory_space<hbm>> -> memref<1x1024xf32, #tpu.memory_space<hbm>>
        %dma_start3A_776 = tpu.memref_squeeze %dma_start3A_775 : memref<1x1024xf32, #tpu.memory_space<hbm>> -> memref<1024xf32, #tpu.memory_space<hbm>>
        %dma_start3A_777 = arith.constant 0 : i32
        %dma_start3A_778 = tpu.memref_slice %arg4[%add3A_770, %dma_start3A_777] : memref<32768x1024xf32, #tpu.memory_space<hbm>> -> memref<1x1024xf32, #tpu.memory_space<hbm>>
        %dma_start3A_779 = tpu.memref_squeeze %dma_start3A_778 : memref<1x1024xf32, #tpu.memory_space<hbm>> -> memref<1024xf32, #tpu.memory_space<hbm>>
        %dma_start3A_780 = arith.constant 0 : i32
        %dma_start3A_781 = tpu.memref_slice %arg5[%squeeze3A_765, %dma_start3A_780] : memref<8x1024xf32, #tpu.memory_space<vmem>> -> memref<1x1024xf32, #tpu.memory_space<vmem>>
        %dma_start3A_782 = tpu.memref_squeeze %dma_start3A_781 : memref<1x1024xf32, #tpu.memory_space<vmem>> -> memref<1024xf32, #tpu.memory_space<vmem>>
        tpu.enqueue_dma source(%dma_start3A_782 : memref<1024xf32, #tpu.memory_space<vmem>>) target(%dma_start3A_779 : memref<1024xf32, #tpu.memory_space<hbm>>) target_semaphore(%arg7 : memref<!tpu.dma_semaphore, #tpu.memory_space<semaphore_mem>>)
        %slice3A_783 = vector.extract_strided_slice %get3A_516 {offsets = [14], sizes = [1], strides = [1]} : vector<16xi32> to vector<1xi32>
        %squeeze3A_784 = vector.extract %slice3A_783[0] : i32 from vector<1xi32>
        %mul3A_785 = arith.constant 16 : i32
        %mul3A_786 = arith.muli %add3A_511, %mul3A_785 : i32
        %add3A_787 = arith.addi %mul3A_2, %mul3A_786 : i32
        %add3A_788 = arith.constant 14 : i32
        %add3A_789 = arith.addi %add3A_787, %add3A_788 : i32
        %dma_start3A_790 = arith.constant 0 : i32
        %dma_start3A_791 = tpu.memref_slice %arg5[%squeeze3A_784, %dma_start3A_790] : memref<8x1024xf32, #tpu.memory_space<vmem>> -> memref<1x1024xf32, #tpu.memory_space<vmem>>
        %dma_start3A_792 = tpu.memref_squeeze %dma_start3A_791 : memref<1x1024xf32, #tpu.memory_space<vmem>> -> memref<1024xf32, #tpu.memory_space<vmem>>
        %dma_start3A_793 = arith.constant 0 : i32
        %dma_start3A_794 = tpu.memref_slice %arg4[%add3A_789, %dma_start3A_793] : memref<32768x1024xf32, #tpu.memory_space<hbm>> -> memref<1x1024xf32, #tpu.memory_space<hbm>>
        %dma_start3A_795 = tpu.memref_squeeze %dma_start3A_794 : memref<1x1024xf32, #tpu.memory_space<hbm>> -> memref<1024xf32, #tpu.memory_space<hbm>>
        %dma_start3A_796 = arith.constant 0 : i32
        %dma_start3A_797 = tpu.memref_slice %arg4[%add3A_789, %dma_start3A_796] : memref<32768x1024xf32, #tpu.memory_space<hbm>> -> memref<1x1024xf32, #tpu.memory_space<hbm>>
        %dma_start3A_798 = tpu.memref_squeeze %dma_start3A_797 : memref<1x1024xf32, #tpu.memory_space<hbm>> -> memref<1024xf32, #tpu.memory_space<hbm>>
        %dma_start3A_799 = arith.constant 0 : i32
        %dma_start3A_800 = tpu.memref_slice %arg5[%squeeze3A_784, %dma_start3A_799] : memref<8x1024xf32, #tpu.memory_space<vmem>> -> memref<1x1024xf32, #tpu.memory_space<vmem>>
        %dma_start3A_801 = tpu.memref_squeeze %dma_start3A_800 : memref<1x1024xf32, #tpu.memory_space<vmem>> -> memref<1024xf32, #tpu.memory_space<vmem>>
        tpu.enqueue_dma source(%dma_start3A_801 : memref<1024xf32, #tpu.memory_space<vmem>>) target(%dma_start3A_798 : memref<1024xf32, #tpu.memory_space<hbm>>) target_semaphore(%arg7 : memref<!tpu.dma_semaphore, #tpu.memory_space<semaphore_mem>>)
        %slice3A_802 = vector.extract_strided_slice %get3A_516 {offsets = [15], sizes = [1], strides = [1]} : vector<16xi32> to vector<1xi32>
        %squeeze3A_803 = vector.extract %slice3A_802[0] : i32 from vector<1xi32>
        %mul3A_804 = arith.constant 16 : i32
        %mul3A_805 = arith.muli %add3A_511, %mul3A_804 : i32
        %add3A_806 = arith.addi %mul3A_2, %mul3A_805 : i32
        %add3A_807 = arith.constant 15 : i32
        %add3A_808 = arith.addi %add3A_806, %add3A_807 : i32
        %dma_start3A_809 = arith.constant 0 : i32
        %dma_start3A_810 = tpu.memref_slice %arg5[%squeeze3A_803, %dma_start3A_809] : memref<8x1024xf32, #tpu.memory_space<vmem>> -> memref<1x1024xf32, #tpu.memory_space<vmem>>
        %dma_start3A_811 = tpu.memref_squeeze %dma_start3A_810 : memref<1x1024xf32, #tpu.memory_space<vmem>> -> memref<1024xf32, #tpu.memory_space<vmem>>
        %dma_start3A_812 = arith.constant 0 : i32
        %dma_start3A_813 = tpu.memref_slice %arg4[%add3A_808, %dma_start3A_812] : memref<32768x1024xf32, #tpu.memory_space<hbm>> -> memref<1x1024xf32, #tpu.memory_space<hbm>>
        %dma_start3A_814 = tpu.memref_squeeze %dma_start3A_813 : memref<1x1024xf32, #tpu.memory_space<hbm>> -> memref<1024xf32, #tpu.memory_space<hbm>>
        %dma_start3A_815 = arith.constant 0 : i32
        %dma_start3A_816 = tpu.memref_slice %arg4[%add3A_808, %dma_start3A_815] : memref<32768x1024xf32, #tpu.memory_space<hbm>> -> memref<1x1024xf32, #tpu.memory_space<hbm>>
        %dma_start3A_817 = tpu.memref_squeeze %dma_start3A_816 : memref<1x1024xf32, #tpu.memory_space<hbm>> -> memref<1024xf32, #tpu.memory_space<hbm>>
        %dma_start3A_818 = arith.constant 0 : i32
        %dma_start3A_819 = tpu.memref_slice %arg5[%squeeze3A_803, %dma_start3A_818] : memref<8x1024xf32, #tpu.memory_space<vmem>> -> memref<1x1024xf32, #tpu.memory_space<vmem>>
        %dma_start3A_820 = tpu.memref_squeeze %dma_start3A_819 : memref<1x1024xf32, #tpu.memory_space<vmem>> -> memref<1024xf32, #tpu.memory_space<vmem>>
        tpu.enqueue_dma source(%dma_start3A_820 : memref<1024xf32, #tpu.memory_space<vmem>>) target(%dma_start3A_817 : memref<1024xf32, #tpu.memory_space<hbm>>) target_semaphore(%arg7 : memref<!tpu.dma_semaphore, #tpu.memory_space<semaphore_mem>>)
      } else {
      }
      %dma_wait3A = arith.constant 0 : i32
      %dma_wait3A_302 = arith.constant 0 : i32
      %dma_wait3A_303 = tpu.memref_slice %arg5[%dma_wait3A, %dma_wait3A_302] : memref<8x1024xf32, #tpu.memory_space<vmem>> -> memref<1x1024xf32, #tpu.memory_space<vmem>>
      %dma_wait3A_304 = tpu.memref_squeeze %dma_wait3A_303 : memref<1x1024xf32, #tpu.memory_space<vmem>> -> memref<1024xf32, #tpu.memory_space<vmem>>
      %dma_wait3A_305 = arith.constant 0 : i32
      %dma_wait3A_306 = tpu.memref_slice %arg4[%mul3A_2, %dma_wait3A_305] : memref<32768x1024xf32, #tpu.memory_space<hbm>> -> memref<1x1024xf32, #tpu.memory_space<hbm>>
      %dma_wait3A_307 = tpu.memref_squeeze %dma_wait3A_306 : memref<1x1024xf32, #tpu.memory_space<hbm>> -> memref<1024xf32, #tpu.memory_space<hbm>>
      %dma_wait3A_308 = arith.constant 0 : i32
      %dma_wait3A_309 = tpu.memref_slice %arg4[%mul3A_2, %dma_wait3A_308] : memref<32768x1024xf32, #tpu.memory_space<hbm>> -> memref<1x1024xf32, #tpu.memory_space<hbm>>
      %dma_wait3A_310 = tpu.memref_squeeze %dma_wait3A_309 : memref<1x1024xf32, #tpu.memory_space<hbm>> -> memref<1024xf32, #tpu.memory_space<hbm>>
      %dma_wait3A_311 = arith.constant 0 : i32
      %dma_wait3A_312 = tpu.memref_slice %arg5[%dma_wait3A, %dma_wait3A_311] : memref<8x1024xf32, #tpu.memory_space<vmem>> -> memref<1x1024xf32, #tpu.memory_space<vmem>>
      %dma_wait3A_313 = tpu.memref_squeeze %dma_wait3A_312 : memref<1x1024xf32, #tpu.memory_space<vmem>> -> memref<1024xf32, #tpu.memory_space<vmem>>
      tpu.wait_dma2 semaphore(%arg7 : memref<!tpu.dma_semaphore, #tpu.memory_space<semaphore_mem>>) src(%dma_wait3A_313 : memref<1024xf32, #tpu.memory_space<vmem>>) dst(%dma_wait3A_310 : memref<1024xf32, #tpu.memory_space<hbm>>)
      %dma_wait3A_314 = arith.constant 0 : i32
      %dma_wait3A_315 = arith.constant 0 : i32
      %dma_wait3A_316 = tpu.memref_slice %arg5[%dma_wait3A_314, %dma_wait3A_315] : memref<8x1024xf32, #tpu.memory_space<vmem>> -> memref<1x1024xf32, #tpu.memory_space<vmem>>
      %dma_wait3A_317 = tpu.memref_squeeze %dma_wait3A_316 : memref<1x1024xf32, #tpu.memory_space<vmem>> -> memref<1024xf32, #tpu.memory_space<vmem>>
      %dma_wait3A_318 = arith.constant 0 : i32
      %dma_wait3A_319 = tpu.memref_slice %arg4[%mul3A_2, %dma_wait3A_318] : memref<32768x1024xf32, #tpu.memory_space<hbm>> -> memref<1x1024xf32, #tpu.memory_space<hbm>>
      %dma_wait3A_320 = tpu.memref_squeeze %dma_wait3A_319 : memref<1x1024xf32, #tpu.memory_space<hbm>> -> memref<1024xf32, #tpu.memory_space<hbm>>
      %dma_wait3A_321 = arith.constant 0 : i32
      %dma_wait3A_322 = tpu.memref_slice %arg4[%mul3A_2, %dma_wait3A_321] : memref<32768x1024xf32, #tpu.memory_space<hbm>> -> memref<1x1024xf32, #tpu.memory_space<hbm>>
      %dma_wait3A_323 = tpu.memref_squeeze %dma_wait3A_322 : memref<1x1024xf32, #tpu.memory_space<hbm>> -> memref<1024xf32, #tpu.memory_space<hbm>>
      %dma_wait3A_324 = arith.constant 0 : i32
      %dma_wait3A_325 = tpu.memref_slice %arg5[%dma_wait3A_314, %dma_wait3A_324] : memref<8x1024xf32, #tpu.memory_space<vmem>> -> memref<1x1024xf32, #tpu.memory_space<vmem>>
      %dma_wait3A_326 = tpu.memref_squeeze %dma_wait3A_325 : memref<1x1024xf32, #tpu.memory_space<vmem>> -> memref<1024xf32, #tpu.memory_space<vmem>>
      tpu.wait_dma2 semaphore(%arg7 : memref<!tpu.dma_semaphore, #tpu.memory_space<semaphore_mem>>) src(%dma_wait3A_326 : memref<1024xf32, #tpu.memory_space<vmem>>) dst(%dma_wait3A_323 : memref<1024xf32, #tpu.memory_space<hbm>>)
      %dma_wait3A_327 = arith.constant 0 : i32
      %dma_wait3A_328 = arith.constant 0 : i32
      %dma_wait3A_329 = tpu.memref_slice %arg5[%dma_wait3A_327, %dma_wait3A_328] : memref<8x1024xf32, #tpu.memory_space<vmem>> -> memref<1x1024xf32, #tpu.memory_space<vmem>>
      %dma_wait3A_330 = tpu.memref_squeeze %dma_wait3A_329 : memref<1x1024xf32, #tpu.memory_space<vmem>> -> memref<1024xf32, #tpu.memory_space<vmem>>
      %dma_wait3A_331 = arith.constant 0 : i32
      %dma_wait3A_332 = tpu.memref_slice %arg4[%mul3A_2, %dma_wait3A_331] : memref<32768x1024xf32, #tpu.memory_space<hbm>> -> memref<1x1024xf32, #tpu.memory_space<hbm>>
      %dma_wait3A_333 = tpu.memref_squeeze %dma_wait3A_332 : memref<1x1024xf32, #tpu.memory_space<hbm>> -> memref<1024xf32, #tpu.memory_space<hbm>>
      %dma_wait3A_334 = arith.constant 0 : i32
      %dma_wait3A_335 = tpu.memref_slice %arg4[%mul3A_2, %dma_wait3A_334] : memref<32768x1024xf32, #tpu.memory_space<hbm>> -> memref<1x1024xf32, #tpu.memory_space<hbm>>
      %dma_wait3A_336 = tpu.memref_squeeze %dma_wait3A_335 : memref<1x1024xf32, #tpu.memory_space<hbm>> -> memref<1024xf32, #tpu.memory_space<hbm>>
      %dma_wait3A_337 = arith.constant 0 : i32
      %dma_wait3A_338 = tpu.memref_slice %arg5[%dma_wait3A_327, %dma_wait3A_337] : memref<8x1024xf32, #tpu.memory_space<vmem>> -> memref<1x1024xf32, #tpu.memory_space<vmem>>
      %dma_wait3A_339 = tpu.memref_squeeze %dma_wait3A_338 : memref<1x1024xf32, #tpu.memory_space<vmem>> -> memref<1024xf32, #tpu.memory_space<vmem>>
      tpu.wait_dma2 semaphore(%arg7 : memref<!tpu.dma_semaphore, #tpu.memory_space<semaphore_mem>>) src(%dma_wait3A_339 : memref<1024xf32, #tpu.memory_space<vmem>>) dst(%dma_wait3A_336 : memref<1024xf32, #tpu.memory_space<hbm>>)
      %dma_wait3A_340 = arith.constant 0 : i32
      %dma_wait3A_341 = arith.constant 0 : i32
      %dma_wait3A_342 = tpu.memref_slice %arg5[%dma_wait3A_340, %dma_wait3A_341] : memref<8x1024xf32, #tpu.memory_space<vmem>> -> memref<1x1024xf32, #tpu.memory_space<vmem>>
      %dma_wait3A_343 = tpu.memref_squeeze %dma_wait3A_342 : memref<1x1024xf32, #tpu.memory_space<vmem>> -> memref<1024xf32, #tpu.memory_space<vmem>>
      %dma_wait3A_344 = arith.constant 0 : i32
      %dma_wait3A_345 = tpu.memref_slice %arg4[%mul3A_2, %dma_wait3A_344] : memref<32768x1024xf32, #tpu.memory_space<hbm>> -> memref<1x1024xf32, #tpu.memory_space<hbm>>
      %dma_wait3A_346 = tpu.memref_squeeze %dma_wait3A_345 : memref<1x1024xf32, #tpu.memory_space<hbm>> -> memref<1024xf32, #tpu.memory_space<hbm>>
      %dma_wait3A_347 = arith.constant 0 : i32
      %dma_wait3A_348 = tpu.memref_slice %arg4[%mul3A_2, %dma_wait3A_347] : memref<32768x1024xf32, #tpu.memory_space<hbm>> -> memref<1x1024xf32, #tpu.memory_space<hbm>>
      %dma_wait3A_349 = tpu.memref_squeeze %dma_wait3A_348 : memref<1x1024xf32, #tpu.memory_space<hbm>> -> memref<1024xf32, #tpu.memory_space<hbm>>
      %dma_wait3A_350 = arith.constant 0 : i32
      %dma_wait3A_351 = tpu.memref_slice %arg5[%dma_wait3A_340, %dma_wait3A_350] : memref<8x1024xf32, #tpu.memory_space<vmem>> -> memref<1x1024xf32, #tpu.memory_space<vmem>>
      %dma_wait3A_352 = tpu.memref_squeeze %dma_wait3A_351 : memref<1x1024xf32, #tpu.memory_space<vmem>> -> memref<1024xf32, #tpu.memory_space<vmem>>
      tpu.wait_dma2 semaphore(%arg7 : memref<!tpu.dma_semaphore, #tpu.memory_space<semaphore_mem>>) src(%dma_wait3A_352 : memref<1024xf32, #tpu.memory_space<vmem>>) dst(%dma_wait3A_349 : memref<1024xf32, #tpu.memory_space<hbm>>)
      %dma_wait3A_353 = arith.constant 0 : i32
      %dma_wait3A_354 = arith.constant 0 : i32
      %dma_wait3A_355 = tpu.memref_slice %arg5[%dma_wait3A_353, %dma_wait3A_354] : memref<8x1024xf32, #tpu.memory_space<vmem>> -> memref<1x1024xf32, #tpu.memory_space<vmem>>
      %dma_wait3A_356 = tpu.memref_squeeze %dma_wait3A_355 : memref<1x1024xf32, #tpu.memory_space<vmem>> -> memref<1024xf32, #tpu.memory_space<vmem>>
      %dma_wait3A_357 = arith.constant 0 : i32
      %dma_wait3A_358 = tpu.memref_slice %arg4[%mul3A_2, %dma_wait3A_357] : memref<32768x1024xf32, #tpu.memory_space<hbm>> -> memref<1x1024xf32, #tpu.memory_space<hbm>>
      %dma_wait3A_359 = tpu.memref_squeeze %dma_wait3A_358 : memref<1x1024xf32, #tpu.memory_space<hbm>> -> memref<1024xf32, #tpu.memory_space<hbm>>
      %dma_wait3A_360 = arith.constant 0 : i32
      %dma_wait3A_361 = tpu.memref_slice %arg4[%mul3A_2, %dma_wait3A_360] : memref<32768x1024xf32, #tpu.memory_space<hbm>> -> memref<1x1024xf32, #tpu.memory_space<hbm>>
      %dma_wait3A_362 = tpu.memref_squeeze %dma_wait3A_361 : memref<1x1024xf32, #tpu.memory_space<hbm>> -> memref<1024xf32, #tpu.memory_space<hbm>>
      %dma_wait3A_363 = arith.constant 0 : i32
      %dma_wait3A_364 = tpu.memref_slice %arg5[%dma_wait3A_353, %dma_wait3A_363] : memref<8x1024xf32, #tpu.memory_space<vmem>> -> memref<1x1024xf32, #tpu.memory_space<vmem>>
      %dma_wait3A_365 = tpu.memref_squeeze %dma_wait3A_364 : memref<1x1024xf32, #tpu.memory_space<vmem>> -> memref<1024xf32, #tpu.memory_space<vmem>>
      tpu.wait_dma2 semaphore(%arg7 : memref<!tpu.dma_semaphore, #tpu.memory_space<semaphore_mem>>) src(%dma_wait3A_365 : memref<1024xf32, #tpu.memory_space<vmem>>) dst(%dma_wait3A_362 : memref<1024xf32, #tpu.memory_space<hbm>>)
      %dma_wait3A_366 = arith.constant 0 : i32
      %dma_wait3A_367 = arith.constant 0 : i32
      %dma_wait3A_368 = tpu.memref_slice %arg5[%dma_wait3A_366, %dma_wait3A_367] : memref<8x1024xf32, #tpu.memory_space<vmem>> -> memref<1x1024xf32, #tpu.memory_space<vmem>>
      %dma_wait3A_369 = tpu.memref_squeeze %dma_wait3A_368 : memref<1x1024xf32, #tpu.memory_space<vmem>> -> memref<1024xf32, #tpu.memory_space<vmem>>
      %dma_wait3A_370 = arith.constant 0 : i32
      %dma_wait3A_371 = tpu.memref_slice %arg4[%mul3A_2, %dma_wait3A_370] : memref<32768x1024xf32, #tpu.memory_space<hbm>> -> memref<1x1024xf32, #tpu.memory_space<hbm>>
      %dma_wait3A_372 = tpu.memref_squeeze %dma_wait3A_371 : memref<1x1024xf32, #tpu.memory_space<hbm>> -> memref<1024xf32, #tpu.memory_space<hbm>>
      %dma_wait3A_373 = arith.constant 0 : i32
      %dma_wait3A_374 = tpu.memref_slice %arg4[%mul3A_2, %dma_wait3A_373] : memref<32768x1024xf32, #tpu.memory_space<hbm>> -> memref<1x1024xf32, #tpu.memory_space<hbm>>
      %dma_wait3A_375 = tpu.memref_squeeze %dma_wait3A_374 : memref<1x1024xf32, #tpu.memory_space<hbm>> -> memref<1024xf32, #tpu.memory_space<hbm>>
      %dma_wait3A_376 = arith.constant 0 : i32
      %dma_wait3A_377 = tpu.memref_slice %arg5[%dma_wait3A_366, %dma_wait3A_376] : memref<8x1024xf32, #tpu.memory_space<vmem>> -> memref<1x1024xf32, #tpu.memory_space<vmem>>
      %dma_wait3A_378 = tpu.memref_squeeze %dma_wait3A_377 : memref<1x1024xf32, #tpu.memory_space<vmem>> -> memref<1024xf32, #tpu.memory_space<vmem>>
      tpu.wait_dma2 semaphore(%arg7 : memref<!tpu.dma_semaphore, #tpu.memory_space<semaphore_mem>>) src(%dma_wait3A_378 : memref<1024xf32, #tpu.memory_space<vmem>>) dst(%dma_wait3A_375 : memref<1024xf32, #tpu.memory_space<hbm>>)
      %dma_wait3A_379 = arith.constant 0 : i32
      %dma_wait3A_380 = arith.constant 0 : i32
      %dma_wait3A_381 = tpu.memref_slice %arg5[%dma_wait3A_379, %dma_wait3A_380] : memref<8x1024xf32, #tpu.memory_space<vmem>> -> memref<1x1024xf32, #tpu.memory_space<vmem>>
      %dma_wait3A_382 = tpu.memref_squeeze %dma_wait3A_381 : memref<1x1024xf32, #tpu.memory_space<vmem>> -> memref<1024xf32, #tpu.memory_space<vmem>>
      %dma_wait3A_383 = arith.constant 0 : i32
      %dma_wait3A_384 = tpu.memref_slice %arg4[%mul3A_2, %dma_wait3A_383] : memref<32768x1024xf32, #tpu.memory_space<hbm>> -> memref<1x1024xf32, #tpu.memory_space<hbm>>
      %dma_wait3A_385 = tpu.memref_squeeze %dma_wait3A_384 : memref<1x1024xf32, #tpu.memory_space<hbm>> -> memref<1024xf32, #tpu.memory_space<hbm>>
      %dma_wait3A_386 = arith.constant 0 : i32
      %dma_wait3A_387 = tpu.memref_slice %arg4[%mul3A_2, %dma_wait3A_386] : memref<32768x1024xf32, #tpu.memory_space<hbm>> -> memref<1x1024xf32, #tpu.memory_space<hbm>>
      %dma_wait3A_388 = tpu.memref_squeeze %dma_wait3A_387 : memref<1x1024xf32, #tpu.memory_space<hbm>> -> memref<1024xf32, #tpu.memory_space<hbm>>
      %dma_wait3A_389 = arith.constant 0 : i32
      %dma_wait3A_390 = tpu.memref_slice %arg5[%dma_wait3A_379, %dma_wait3A_389] : memref<8x1024xf32, #tpu.memory_space<vmem>> -> memref<1x1024xf32, #tpu.memory_space<vmem>>
      %dma_wait3A_391 = tpu.memref_squeeze %dma_wait3A_390 : memref<1x1024xf32, #tpu.memory_space<vmem>> -> memref<1024xf32, #tpu.memory_space<vmem>>
      tpu.wait_dma2 semaphore(%arg7 : memref<!tpu.dma_semaphore, #tpu.memory_space<semaphore_mem>>) src(%dma_wait3A_391 : memref<1024xf32, #tpu.memory_space<vmem>>) dst(%dma_wait3A_388 : memref<1024xf32, #tpu.memory_space<hbm>>)
      %dma_wait3A_392 = arith.constant 0 : i32
      %dma_wait3A_393 = arith.constant 0 : i32
      %dma_wait3A_394 = tpu.memref_slice %arg5[%dma_wait3A_392, %dma_wait3A_393] : memref<8x1024xf32, #tpu.memory_space<vmem>> -> memref<1x1024xf32, #tpu.memory_space<vmem>>
      %dma_wait3A_395 = tpu.memref_squeeze %dma_wait3A_394 : memref<1x1024xf32, #tpu.memory_space<vmem>> -> memref<1024xf32, #tpu.memory_space<vmem>>
      %dma_wait3A_396 = arith.constant 0 : i32
      %dma_wait3A_397 = tpu.memref_slice %arg4[%mul3A_2, %dma_wait3A_396] : memref<32768x1024xf32, #tpu.memory_space<hbm>> -> memref<1x1024xf32, #tpu.memory_space<hbm>>
      %dma_wait3A_398 = tpu.memref_squeeze %dma_wait3A_397 : memref<1x1024xf32, #tpu.memory_space<hbm>> -> memref<1024xf32, #tpu.memory_space<hbm>>
      %dma_wait3A_399 = arith.constant 0 : i32
      %dma_wait3A_400 = tpu.memref_slice %arg4[%mul3A_2, %dma_wait3A_399] : memref<32768x1024xf32, #tpu.memory_space<hbm>> -> memref<1x1024xf32, #tpu.memory_space<hbm>>
      %dma_wait3A_401 = tpu.memref_squeeze %dma_wait3A_400 : memref<1x1024xf32, #tpu.memory_space<hbm>> -> memref<1024xf32, #tpu.memory_space<hbm>>
      %dma_wait3A_402 = arith.constant 0 : i32
      %dma_wait3A_403 = tpu.memref_slice %arg5[%dma_wait3A_392, %dma_wait3A_402] : memref<8x1024xf32, #tpu.memory_space<vmem>> -> memref<1x1024xf32, #tpu.memory_space<vmem>>
      %dma_wait3A_404 = tpu.memref_squeeze %dma_wait3A_403 : memref<1x1024xf32, #tpu.memory_space<vmem>> -> memref<1024xf32, #tpu.memory_space<vmem>>
      tpu.wait_dma2 semaphore(%arg7 : memref<!tpu.dma_semaphore, #tpu.memory_space<semaphore_mem>>) src(%dma_wait3A_404 : memref<1024xf32, #tpu.memory_space<vmem>>) dst(%dma_wait3A_401 : memref<1024xf32, #tpu.memory_space<hbm>>)
      %dma_wait3A_405 = arith.constant 0 : i32
      %dma_wait3A_406 = arith.constant 0 : i32
      %dma_wait3A_407 = tpu.memref_slice %arg5[%dma_wait3A_405, %dma_wait3A_406] : memref<8x1024xf32, #tpu.memory_space<vmem>> -> memref<1x1024xf32, #tpu.memory_space<vmem>>
      %dma_wait3A_408 = tpu.memref_squeeze %dma_wait3A_407 : memref<1x1024xf32, #tpu.memory_space<vmem>> -> memref<1024xf32, #tpu.memory_space<vmem>>
      %dma_wait3A_409 = arith.constant 0 : i32
      %dma_wait3A_410 = tpu.memref_slice %arg4[%mul3A_2, %dma_wait3A_409] : memref<32768x1024xf32, #tpu.memory_space<hbm>> -> memref<1x1024xf32, #tpu.memory_space<hbm>>
      %dma_wait3A_411 = tpu.memref_squeeze %dma_wait3A_410 : memref<1x1024xf32, #tpu.memory_space<hbm>> -> memref<1024xf32, #tpu.memory_space<hbm>>
      %dma_wait3A_412 = arith.constant 0 : i32
      %dma_wait3A_413 = tpu.memref_slice %arg4[%mul3A_2, %dma_wait3A_412] : memref<32768x1024xf32, #tpu.memory_space<hbm>> -> memref<1x1024xf32, #tpu.memory_space<hbm>>
      %dma_wait3A_414 = tpu.memref_squeeze %dma_wait3A_413 : memref<1x1024xf32, #tpu.memory_space<hbm>> -> memref<1024xf32, #tpu.memory_space<hbm>>
      %dma_wait3A_415 = arith.constant 0 : i32
      %dma_wait3A_416 = tpu.memref_slice %arg5[%dma_wait3A_405, %dma_wait3A_415] : memref<8x1024xf32, #tpu.memory_space<vmem>> -> memref<1x1024xf32, #tpu.memory_space<vmem>>
      %dma_wait3A_417 = tpu.memref_squeeze %dma_wait3A_416 : memref<1x1024xf32, #tpu.memory_space<vmem>> -> memref<1024xf32, #tpu.memory_space<vmem>>
      tpu.wait_dma2 semaphore(%arg7 : memref<!tpu.dma_semaphore, #tpu.memory_space<semaphore_mem>>) src(%dma_wait3A_417 : memref<1024xf32, #tpu.memory_space<vmem>>) dst(%dma_wait3A_414 : memref<1024xf32, #tpu.memory_space<hbm>>)
      %dma_wait3A_418 = arith.constant 0 : i32
      %dma_wait3A_419 = arith.constant 0 : i32
      %dma_wait3A_420 = tpu.memref_slice %arg5[%dma_wait3A_418, %dma_wait3A_419] : memref<8x1024xf32, #tpu.memory_space<vmem>> -> memref<1x1024xf32, #tpu.memory_space<vmem>>
      %dma_wait3A_421 = tpu.memref_squeeze %dma_wait3A_420 : memref<1x1024xf32, #tpu.memory_space<vmem>> -> memref<1024xf32, #tpu.memory_space<vmem>>
      %dma_wait3A_422 = arith.constant 0 : i32
      %dma_wait3A_423 = tpu.memref_slice %arg4[%mul3A_2, %dma_wait3A_422] : memref<32768x1024xf32, #tpu.memory_space<hbm>> -> memref<1x1024xf32, #tpu.memory_space<hbm>>
      %dma_wait3A_424 = tpu.memref_squeeze %dma_wait3A_423 : memref<1x1024xf32, #tpu.memory_space<hbm>> -> memref<1024xf32, #tpu.memory_space<hbm>>
      %dma_wait3A_425 = arith.constant 0 : i32
      %dma_wait3A_426 = tpu.memref_slice %arg4[%mul3A_2, %dma_wait3A_425] : memref<32768x1024xf32, #tpu.memory_space<hbm>> -> memref<1x1024xf32, #tpu.memory_space<hbm>>
      %dma_wait3A_427 = tpu.memref_squeeze %dma_wait3A_426 : memref<1x1024xf32, #tpu.memory_space<hbm>> -> memref<1024xf32, #tpu.memory_space<hbm>>
      %dma_wait3A_428 = arith.constant 0 : i32
      %dma_wait3A_429 = tpu.memref_slice %arg5[%dma_wait3A_418, %dma_wait3A_428] : memref<8x1024xf32, #tpu.memory_space<vmem>> -> memref<1x1024xf32, #tpu.memory_space<vmem>>
      %dma_wait3A_430 = tpu.memref_squeeze %dma_wait3A_429 : memref<1x1024xf32, #tpu.memory_space<vmem>> -> memref<1024xf32, #tpu.memory_space<vmem>>
      tpu.wait_dma2 semaphore(%arg7 : memref<!tpu.dma_semaphore, #tpu.memory_space<semaphore_mem>>) src(%dma_wait3A_430 : memref<1024xf32, #tpu.memory_space<vmem>>) dst(%dma_wait3A_427 : memref<1024xf32, #tpu.memory_space<hbm>>)
      %dma_wait3A_431 = arith.constant 0 : i32
      %dma_wait3A_432 = arith.constant 0 : i32
      %dma_wait3A_433 = tpu.memref_slice %arg5[%dma_wait3A_431, %dma_wait3A_432] : memref<8x1024xf32, #tpu.memory_space<vmem>> -> memref<1x1024xf32, #tpu.memory_space<vmem>>
      %dma_wait3A_434 = tpu.memref_squeeze %dma_wait3A_433 : memref<1x1024xf32, #tpu.memory_space<vmem>> -> memref<1024xf32, #tpu.memory_space<vmem>>
      %dma_wait3A_435 = arith.constant 0 : i32
      %dma_wait3A_436 = tpu.memref_slice %arg4[%mul3A_2, %dma_wait3A_435] : memref<32768x1024xf32, #tpu.memory_space<hbm>> -> memref<1x1024xf32, #tpu.memory_space<hbm>>
      %dma_wait3A_437 = tpu.memref_squeeze %dma_wait3A_436 : memref<1x1024xf32, #tpu.memory_space<hbm>> -> memref<1024xf32, #tpu.memory_space<hbm>>
      %dma_wait3A_438 = arith.constant 0 : i32
      %dma_wait3A_439 = tpu.memref_slice %arg4[%mul3A_2, %dma_wait3A_438] : memref<32768x1024xf32, #tpu.memory_space<hbm>> -> memref<1x1024xf32, #tpu.memory_space<hbm>>
      %dma_wait3A_440 = tpu.memref_squeeze %dma_wait3A_439 : memref<1x1024xf32, #tpu.memory_space<hbm>> -> memref<1024xf32, #tpu.memory_space<hbm>>
      %dma_wait3A_441 = arith.constant 0 : i32
      %dma_wait3A_442 = tpu.memref_slice %arg5[%dma_wait3A_431, %dma_wait3A_441] : memref<8x1024xf32, #tpu.memory_space<vmem>> -> memref<1x1024xf32, #tpu.memory_space<vmem>>
      %dma_wait3A_443 = tpu.memref_squeeze %dma_wait3A_442 : memref<1x1024xf32, #tpu.memory_space<vmem>> -> memref<1024xf32, #tpu.memory_space<vmem>>
      tpu.wait_dma2 semaphore(%arg7 : memref<!tpu.dma_semaphore, #tpu.memory_space<semaphore_mem>>) src(%dma_wait3A_443 : memref<1024xf32, #tpu.memory_space<vmem>>) dst(%dma_wait3A_440 : memref<1024xf32, #tpu.memory_space<hbm>>)
      %dma_wait3A_444 = arith.constant 0 : i32
      %dma_wait3A_445 = arith.constant 0 : i32
      %dma_wait3A_446 = tpu.memref_slice %arg5[%dma_wait3A_444, %dma_wait3A_445] : memref<8x1024xf32, #tpu.memory_space<vmem>> -> memref<1x1024xf32, #tpu.memory_space<vmem>>
      %dma_wait3A_447 = tpu.memref_squeeze %dma_wait3A_446 : memref<1x1024xf32, #tpu.memory_space<vmem>> -> memref<1024xf32, #tpu.memory_space<vmem>>
      %dma_wait3A_448 = arith.constant 0 : i32
      %dma_wait3A_449 = tpu.memref_slice %arg4[%mul3A_2, %dma_wait3A_448] : memref<32768x1024xf32, #tpu.memory_space<hbm>> -> memref<1x1024xf32, #tpu.memory_space<hbm>>
      %dma_wait3A_450 = tpu.memref_squeeze %dma_wait3A_449 : memref<1x1024xf32, #tpu.memory_space<hbm>> -> memref<1024xf32, #tpu.memory_space<hbm>>
      %dma_wait3A_451 = arith.constant 0 : i32
      %dma_wait3A_452 = tpu.memref_slice %arg4[%mul3A_2, %dma_wait3A_451] : memref<32768x1024xf32, #tpu.memory_space<hbm>> -> memref<1x1024xf32, #tpu.memory_space<hbm>>
      %dma_wait3A_453 = tpu.memref_squeeze %dma_wait3A_452 : memref<1x1024xf32, #tpu.memory_space<hbm>> -> memref<1024xf32, #tpu.memory_space<hbm>>
      %dma_wait3A_454 = arith.constant 0 : i32
      %dma_wait3A_455 = tpu.memref_slice %arg5[%dma_wait3A_444, %dma_wait3A_454] : memref<8x1024xf32, #tpu.memory_space<vmem>> -> memref<1x1024xf32, #tpu.memory_space<vmem>>
      %dma_wait3A_456 = tpu.memref_squeeze %dma_wait3A_455 : memref<1x1024xf32, #tpu.memory_space<vmem>> -> memref<1024xf32, #tpu.memory_space<vmem>>
      tpu.wait_dma2 semaphore(%arg7 : memref<!tpu.dma_semaphore, #tpu.memory_space<semaphore_mem>>) src(%dma_wait3A_456 : memref<1024xf32, #tpu.memory_space<vmem>>) dst(%dma_wait3A_453 : memref<1024xf32, #tpu.memory_space<hbm>>)
      %dma_wait3A_457 = arith.constant 0 : i32
      %dma_wait3A_458 = arith.constant 0 : i32
      %dma_wait3A_459 = tpu.memref_slice %arg5[%dma_wait3A_457, %dma_wait3A_458] : memref<8x1024xf32, #tpu.memory_space<vmem>> -> memref<1x1024xf32, #tpu.memory_space<vmem>>
      %dma_wait3A_460 = tpu.memref_squeeze %dma_wait3A_459 : memref<1x1024xf32, #tpu.memory_space<vmem>> -> memref<1024xf32, #tpu.memory_space<vmem>>
      %dma_wait3A_461 = arith.constant 0 : i32
      %dma_wait3A_462 = tpu.memref_slice %arg4[%mul3A_2, %dma_wait3A_461] : memref<32768x1024xf32, #tpu.memory_space<hbm>> -> memref<1x1024xf32, #tpu.memory_space<hbm>>
      %dma_wait3A_463 = tpu.memref_squeeze %dma_wait3A_462 : memref<1x1024xf32, #tpu.memory_space<hbm>> -> memref<1024xf32, #tpu.memory_space<hbm>>
      %dma_wait3A_464 = arith.constant 0 : i32
      %dma_wait3A_465 = tpu.memref_slice %arg4[%mul3A_2, %dma_wait3A_464] : memref<32768x1024xf32, #tpu.memory_space<hbm>> -> memref<1x1024xf32, #tpu.memory_space<hbm>>
      %dma_wait3A_466 = tpu.memref_squeeze %dma_wait3A_465 : memref<1x1024xf32, #tpu.memory_space<hbm>> -> memref<1024xf32, #tpu.memory_space<hbm>>
      %dma_wait3A_467 = arith.constant 0 : i32
      %dma_wait3A_468 = tpu.memref_slice %arg5[%dma_wait3A_457, %dma_wait3A_467] : memref<8x1024xf32, #tpu.memory_space<vmem>> -> memref<1x1024xf32, #tpu.memory_space<vmem>>
      %dma_wait3A_469 = tpu.memref_squeeze %dma_wait3A_468 : memref<1x1024xf32, #tpu.memory_space<vmem>> -> memref<1024xf32, #tpu.memory_space<vmem>>
      tpu.wait_dma2 semaphore(%arg7 : memref<!tpu.dma_semaphore, #tpu.memory_space<semaphore_mem>>) src(%dma_wait3A_469 : memref<1024xf32, #tpu.memory_space<vmem>>) dst(%dma_wait3A_466 : memref<1024xf32, #tpu.memory_space<hbm>>)
      %dma_wait3A_470 = arith.constant 0 : i32
      %dma_wait3A_471 = arith.constant 0 : i32
      %dma_wait3A_472 = tpu.memref_slice %arg5[%dma_wait3A_470, %dma_wait3A_471] : memref<8x1024xf32, #tpu.memory_space<vmem>> -> memref<1x1024xf32, #tpu.memory_space<vmem>>
      %dma_wait3A_473 = tpu.memref_squeeze %dma_wait3A_472 : memref<1x1024xf32, #tpu.memory_space<vmem>> -> memref<1024xf32, #tpu.memory_space<vmem>>
      %dma_wait3A_474 = arith.constant 0 : i32
      %dma_wait3A_475 = tpu.memref_slice %arg4[%mul3A_2, %dma_wait3A_474] : memref<32768x1024xf32, #tpu.memory_space<hbm>> -> memref<1x1024xf32, #tpu.memory_space<hbm>>
      %dma_wait3A_476 = tpu.memref_squeeze %dma_wait3A_475 : memref<1x1024xf32, #tpu.memory_space<hbm>> -> memref<1024xf32, #tpu.memory_space<hbm>>
      %dma_wait3A_477 = arith.constant 0 : i32
      %dma_wait3A_478 = tpu.memref_slice %arg4[%mul3A_2, %dma_wait3A_477] : memref<32768x1024xf32, #tpu.memory_space<hbm>> -> memref<1x1024xf32, #tpu.memory_space<hbm>>
      %dma_wait3A_479 = tpu.memref_squeeze %dma_wait3A_478 : memref<1x1024xf32, #tpu.memory_space<hbm>> -> memref<1024xf32, #tpu.memory_space<hbm>>
      %dma_wait3A_480 = arith.constant 0 : i32
      %dma_wait3A_481 = tpu.memref_slice %arg5[%dma_wait3A_470, %dma_wait3A_480] : memref<8x1024xf32, #tpu.memory_space<vmem>> -> memref<1x1024xf32, #tpu.memory_space<vmem>>
      %dma_wait3A_482 = tpu.memref_squeeze %dma_wait3A_481 : memref<1x1024xf32, #tpu.memory_space<vmem>> -> memref<1024xf32, #tpu.memory_space<vmem>>
      tpu.wait_dma2 semaphore(%arg7 : memref<!tpu.dma_semaphore, #tpu.memory_space<semaphore_mem>>) src(%dma_wait3A_482 : memref<1024xf32, #tpu.memory_space<vmem>>) dst(%dma_wait3A_479 : memref<1024xf32, #tpu.memory_space<hbm>>)
      %dma_wait3A_483 = arith.constant 0 : i32
      %dma_wait3A_484 = arith.constant 0 : i32
      %dma_wait3A_485 = tpu.memref_slice %arg5[%dma_wait3A_483, %dma_wait3A_484] : memref<8x1024xf32, #tpu.memory_space<vmem>> -> memref<1x1024xf32, #tpu.memory_space<vmem>>
      %dma_wait3A_486 = tpu.memref_squeeze %dma_wait3A_485 : memref<1x1024xf32, #tpu.memory_space<vmem>> -> memref<1024xf32, #tpu.memory_space<vmem>>
      %dma_wait3A_487 = arith.constant 0 : i32
      %dma_wait3A_488 = tpu.memref_slice %arg4[%mul3A_2, %dma_wait3A_487] : memref<32768x1024xf32, #tpu.memory_space<hbm>> -> memref<1x1024xf32, #tpu.memory_space<hbm>>
      %dma_wait3A_489 = tpu.memref_squeeze %dma_wait3A_488 : memref<1x1024xf32, #tpu.memory_space<hbm>> -> memref<1024xf32, #tpu.memory_space<hbm>>
      %dma_wait3A_490 = arith.constant 0 : i32
      %dma_wait3A_491 = tpu.memref_slice %arg4[%mul3A_2, %dma_wait3A_490] : memref<32768x1024xf32, #tpu.memory_space<hbm>> -> memref<1x1024xf32, #tpu.memory_space<hbm>>
      %dma_wait3A_492 = tpu.memref_squeeze %dma_wait3A_491 : memref<1x1024xf32, #tpu.memory_space<hbm>> -> memref<1024xf32, #tpu.memory_space<hbm>>
      %dma_wait3A_493 = arith.constant 0 : i32
      %dma_wait3A_494 = tpu.memref_slice %arg5[%dma_wait3A_483, %dma_wait3A_493] : memref<8x1024xf32, #tpu.memory_space<vmem>> -> memref<1x1024xf32, #tpu.memory_space<vmem>>
      %dma_wait3A_495 = tpu.memref_squeeze %dma_wait3A_494 : memref<1x1024xf32, #tpu.memory_space<vmem>> -> memref<1024xf32, #tpu.memory_space<vmem>>
      tpu.wait_dma2 semaphore(%arg7 : memref<!tpu.dma_semaphore, #tpu.memory_space<semaphore_mem>>) src(%dma_wait3A_495 : memref<1024xf32, #tpu.memory_space<vmem>>) dst(%dma_wait3A_492 : memref<1024xf32, #tpu.memory_space<hbm>>)
      %dma_wait3A_496 = arith.constant 0 : i32
      %dma_wait3A_497 = arith.constant 0 : i32
      %dma_wait3A_498 = tpu.memref_slice %arg5[%dma_wait3A_496, %dma_wait3A_497] : memref<8x1024xf32, #tpu.memory_space<vmem>> -> memref<1x1024xf32, #tpu.memory_space<vmem>>
      %dma_wait3A_499 = tpu.memref_squeeze %dma_wait3A_498 : memref<1x1024xf32, #tpu.memory_space<vmem>> -> memref<1024xf32, #tpu.memory_space<vmem>>
      %dma_wait3A_500 = arith.constant 0 : i32
      %dma_wait3A_501 = tpu.memref_slice %arg4[%mul3A_2, %dma_wait3A_500] : memref<32768x1024xf32, #tpu.memory_space<hbm>> -> memref<1x1024xf32, #tpu.memory_space<hbm>>
      %dma_wait3A_502 = tpu.memref_squeeze %dma_wait3A_501 : memref<1x1024xf32, #tpu.memory_space<hbm>> -> memref<1024xf32, #tpu.memory_space<hbm>>
      %dma_wait3A_503 = arith.constant 0 : i32
      %dma_wait3A_504 = tpu.memref_slice %arg4[%mul3A_2, %dma_wait3A_503] : memref<32768x1024xf32, #tpu.memory_space<hbm>> -> memref<1x1024xf32, #tpu.memory_space<hbm>>
      %dma_wait3A_505 = tpu.memref_squeeze %dma_wait3A_504 : memref<1x1024xf32, #tpu.memory_space<hbm>> -> memref<1024xf32, #tpu.memory_space<hbm>>
      %dma_wait3A_506 = arith.constant 0 : i32
      %dma_wait3A_507 = tpu.memref_slice %arg5[%dma_wait3A_496, %dma_wait3A_506] : memref<8x1024xf32, #tpu.memory_space<vmem>> -> memref<1x1024xf32, #tpu.memory_space<vmem>>
      %dma_wait3A_508 = tpu.memref_squeeze %dma_wait3A_507 : memref<1x1024xf32, #tpu.memory_space<vmem>> -> memref<1024xf32, #tpu.memory_space<vmem>>
      tpu.wait_dma2 semaphore(%arg7 : memref<!tpu.dma_semaphore, #tpu.memory_space<semaphore_mem>>) src(%dma_wait3A_508 : memref<1024xf32, #tpu.memory_space<vmem>>) dst(%dma_wait3A_505 : memref<1024xf32, #tpu.memory_space<hbm>>)
      %scan3A_509 = arith.constant 0 : i32
      scf.yield %scan3A_509 : i32
    }
    %scan3A_295 = arith.constant 64 : i32
    return
  }
}

</mosaic_0001>

<sc_bundles>
// kernel: kernel.3.cloned.1.call-start
scs
__scs_entry_jumppad:
0x0: {  	(pc) =	sbr.rel $0x88, $3  }
0x1: {  	(tag) =	ssettag $0x0;
	lr =	simm.s32 $0x1  }
0x2: {  	[smem:$0x3F9F] =	sst lr;
	_ =	strace $0xD0000000  }
0x3: {  	_ = 	snop  }
0x4: {  	_ = 	snop  }
0x5: {  	_ = 	snop  }
0x6: {  	_ = 	snop  }
0x7: {  	_ = 	snop  }
__scs_overlays_trampoline_lowered:
0x8: {  	[smem:$0x3FAE] =	sst s0  }
0x9: {  	[smem:$0x3FAF] =	sst s1  }
0xa: {  	[smem:$0x3FB0] =	sst s2  }
0xb: {  	[smem:$0x3FB1] =	sst s3  }
0xc: {  	[smem:$0x3FB2] =	sst s4  }
0xd: {  	[smem:$0x3FB3] =	sst s5  }
0xe: {  	[smem:$0x3FB4] =	sst s6  }
0xf: {  	[smem:$0x3FB5] =	sst s7  }
0x10: {  	[smem:$0x3FB6] =	sst s8  }
0x11: {  	[smem:$0x3FB7] =	sst s9;
	s0 =	simm.s32 @!p0 $0x0  }
0x12: {  	s1 =	sld [smem:$0x3F9D];
	s0 =	simm.s32 @p0 $0x1  }
0x13: {  	[smem:$0x3FB8] =	sst s0;
	s0 =	simm.s32 @!p1 $0x0  }
0x14: {  	s2 =	sld [smem:$0x3F9C];
	s0 =	simm.s32 @p1 $0x1  }
0x15: {  	[smem:$0x3FB9] =	sst s0;
	s0 =	simm.s32 @!p2 $0x0  }
0x16: {  	s3 =	sld [smem:$0x3FDB];
	s0 =	simm.s32 @p2 $0x1  }
0x17: {  	s4 =	simm.s32 $0x1BF5;
	[smem:$0x3FBB] =	sst s0  }
0x18: {  	s0 =	sld [smem:$0x3F9E];
	_ =	swait.ge [sflag:s4], $0x0  }
0x19: {  	s7 =	sld [smem:$0x3F9F]  }
0x1a: {  	s8 =	sadd.s32 $0xFFFFE003, lr  }
0x1b: {  	s9 =	sadd.s32 $0xFFFFFEF7, lr;
	s5 =	simm.s32 $0xFFFFFFFF;
	p2 =	slt.u32 s8, $0xFFFFF086  }
0x1c: {  	p1 =	slt.u32 s9, $0xF7A;
	s5 =	simm.s32 @!p2 $0x0  }
0x1d: {  	s5 =	simm.s32 @p1 $0x1;
	p0 =	seq.s32 s7, s2  }
0x1e: {  	s7 =	smul.u32 @!p0 $0xF7A, s2;
	p2 =	seq.s32 @!p0 s5, $0x0  }
0x1f: {  	s9 =	smul.u32 $0xF7A, s1;
	s8 =	simm.s32 @!p0 $0x1BF5;
	p2 =	por !p2, p0  }
0x20: {  	[sflag:s8] =	ssyncset.s32 @!p0 $0xFFFFF086;
	s6 =	sadd.s32 @!p0 s3, s7;
	s7 =	simm.s32 @!p0 $0x108  }
0x21: {  	s3 =	sadd.s32 s3, s9;
	s6 =	sadd.s32 @!p0 $0x88, s6;
	s7 =	simm.s32 @p2 $0x1082  }
0x22: {  	[simem:s7], [sflag:s8] =	dma.local @!p0 [hbm:s6], $0xF7A  }
0x23: {  	s9 =	sor.u32 $0xD0000000, s2;
	s6 =	simm.s32 $0x108;
	_ =	swait.ge @!p0 [sflag:s8], $0x0  }
0x24: {  	s3 =	sadd.s32 $0x88, s3;
	s6 =	simm.s32 @!p1 $0x1082;
	[sflag:s4] =	ssyncset.s32 $0xFFFFF086  }
0x25: {  	[simem:s6], [sflag:s4] =	dma.local [hbm:s3], $0xF7A  }
0x26: {  	[smem:$0x3F9F] =	sst s1;
	(tag) =	ssettag s2;
	_ =	strace s9  }
0x27: {  	s1 =	sld [smem:$0x3FAF]  }
0x28: {  	s2 =	sld [smem:$0x3FB0]  }
0x29: {  	s4 =	sld [smem:$0x3FB2]  }
0x2a: {  	p0 =	seq.s32 s5, $0x0;
	s5 =	sld [smem:$0x3FB3]  }
0x2b: {  	s6 =	sld [smem:$0x3FB4]  }
0x2c: {  	s7 =	sld [smem:$0x3FB5]  }
0x2d: {  	s3 =	simm.s32 $0x108;
	s8 =	sld [smem:$0x3FB6]  }
0x2e: {  	s3 =	simm.s32 @!p0 $0x1082;
	s9 =	sld [smem:$0x3FB7]  }
0x2f: {  	lr =	sadd.s32 s0, s3;
	s0 =	sld [smem:$0x3FAE]  }
0x30: {  	s3 =	sld [smem:$0x3FB1]  }
0x31: {  	[smem:$0x3FBA] =	sst s10  }
0x32: {  	s10 =	sld [smem:$0x3FB8];
	_ =	sdelay $0x3  }
0x33: {  	p0 =	seq.s32 s10, $0x1;
	s10 =	sld [smem:$0x3FBA];
	_ =	sdelay $0x3  }
0x34: {  	[smem:$0x3FBA] =	sst s10  }
0x35: {  	s10 =	sld [smem:$0x3FB9];
	_ =	sdelay $0x3  }
0x36: {  	p1 =	seq.s32 s10, $0x1;
	s10 =	sld [smem:$0x3FBA];
	_ =	sdelay $0x3  }
0x37: {  	[smem:$0x3FBA] =	sst s10  }
0x38: {  	s10 =	sld [smem:$0x3FBB]  }
0x39: {  	_ = 	snop;
	(pc) =	sbr.ind lr, $3  }
0x3a: {  	_ = 	snop  }
0x3b: {  	_ = 	snop  }
0x3c: {  	p2 =	seq.s32 s10, $0x1;
	s10 =	sld [smem:$0x3FBA]  }
0x3d: {  	_ =	shalt  }
0x3e: {  	_ =	shalt  }
0x3f: {  	_ =	shalt  }
0x40: {  	_ =	shalt  }
0x41: {  	_ =	shalt  }
0x42: {  	_ =	shalt  }
0x43: {  	_ =	shalt  }
0x44: {  	_ =	shalt  }
0x45: {  	_ =	shalt  }
0x46: {  	_ =	shalt  }
0x47: {  	_ =	shalt  }
0x48: {  	_ =	shalt  }
0x49: {  	_ =	shalt  }
0x4a: {  	_ =	shalt  }
0x4b: {  	_ =	shalt  }
0x4c: {  	_ =	shalt  }
0x4d: {  	_ =	shalt  }
0x4e: {  	_ =	shalt  }
0x4f: {  	_ =	shalt  }
0x50: {  	_ =	shalt  }
0x51: {  	_ =	shalt  }
0x52: {  	_ =	shalt  }
0x53: {  	_ =	shalt  }
0x54: {  	_ =	shalt  }
0x55: {  	_ =	shalt  }
0x56: {  	_ =	shalt  }
0x57: {  	_ =	shalt  }
0x58: {  	_ =	shalt  }
0x59: {  	_ =	shalt  }
0x5a: {  	_ =	shalt  }
0x5b: {  	_ =	shalt  }
0x5c: {  	_ =	shalt  }
0x5d: {  	_ =	shalt  }
0x5e: {  	_ =	shalt  }
0x5f: {  	_ =	shalt  }
0x60: {  	_ =	shalt  }
0x61: {  	_ =	shalt  }
0x62: {  	_ =	shalt  }
0x63: {  	_ =	shalt  }
0x64: {  	_ =	shalt  }
0x65: {  	_ =	shalt  }
0x66: {  	_ =	shalt  }
0x67: {  	_ =	shalt  }
0x68: {  	_ =	shalt  }
0x69: {  	_ =	shalt  }
0x6a: {  	_ =	shalt  }
0x6b: {  	_ =	shalt  }
0x6c: {  	_ =	shalt  }
0x6d: {  	_ =	shalt  }
0x6e: {  	_ =	shalt  }
0x6f: {  	_ =	shalt  }
0x70: {  	_ =	shalt  }
0x71: {  	_ =	shalt  }
0x72: {  	_ =	shalt  }
0x73: {  	_ =	shalt  }
0x74: {  	_ =	shalt  }
0x75: {  	_ =	shalt  }
0x76: {  	_ =	shalt  }
0x77: {  	_ =	shalt  }
0x78: {  	_ =	shalt  }
0x79: {  	_ =	shalt  }
0x7a: {  	_ =	shalt  }
0x7b: {  	_ =	shalt  }
0x7c: {  	_ =	shalt  }
0x7d: {  	_ =	shalt  }
0x7e: {  	_ =	shalt  }
0x7f: {  	_ =	shalt  }
0x80: {  	_ =	shalt  }
0x81: {  	_ =	shalt  }
0x82: {  	_ =	shalt  }
0x83: {  	_ =	shalt  }
0x84: {  	_ =	shalt  }
0x85: {  	_ =	shalt  }
0x86: {  	_ =	shalt  }
0x87: {  	_ =	shalt  }
.Lfunc_end0:
.L_simem_size_0:
called_computation_lowered:
.L_overlay_start_0:
0x88: {  	s2 =	sld [smem:$0x3FD9]  }
0x89: {  	s3 =	sld [smem:$0x3FFE];
	_ =	sdelay $0x1  }
0x8a: {  	s1 =	srdreg.scid  }
0x8b: {  	s0 =	sand.u32 $0x1, s1  }
0x8c: {  	s17 =	sshll.u32 s0, $0xA;
	s2 =	sadd.s32 s3, s2  }
0x8d: {  	s2 =	sadd.s32 s2, s17  }
0x8e: {  	[smem:$0x3FC6] =	sst s2  }
0x8f: {  	_ = 	snop  }
0x90: {  	s2 =	sld [smem:$0x3FC8]  }
0x91: {  	s18 =	sld [smem:$0x3FD0];
	(tm) =	ssettm $0x1  }
0x92: {  	s4 =	sld [smem:$0x3FFB];
	_ =	sdelay $0x3  }
0x93: {  	_ =	strace s4  }
0x94: {  	s4 =	sld [smem:$0x3FFC];
	_ =	sdelay $0x3  }
0x95: {  	_ =	strace s4  }
0x96: {  	s4 =	sld [smem:$0x3FFD];
	_ =	sdelay $0x3  }
0x97: {  	_ =	strace s4  }
0x98: {  	_ =	strace $0x8FFFFFFF  }
0x99: {  	s19 =	sld [smem:$0x3FDB];
	_ =	sdelay $0x1  }
0x9a: {  	s5 =	simm.s32 $_scs_section_size  }
0x9b: {  	s6 =	simm.s32 $_size__tile_overlayer_lowered;
	s7 =	simm.s32 $_tile_overlayer_lowered  }
0x9c: {  	s22 =	simm.s32 $0x1BFF;
	s21 =	sshll.u32 s7, $0x1;
	s4 =	sadd.s32 s5, s19  }
0x9d: {  	s8 =	simm.s32 $0x0;
	s20 =	sshll.u32 s6, $0x1;
	s6 =	sadd.s32 s21, s4  }
0x9e: {  	[timem:s8], [sflag:s22] =	dma.local [hbm:s6], s20  }
0x9f: {  	_ =	swait.ge [sflag:s22], s20  }
0xa0: {  	s5 =	ssub.s32 $0x0, s20;
	[sflag:s22] =	ssyncset.done $0x0  }
0xa1: {  	[sflag:s22] =	ssyncadd.s32 s5;
	_ =	sdelay $0x1  }
0xa2: {  	s23 =	simm.s32 $0x1B8B  }
0xa3: {  	_ =	swait.ge [sflag:s23], $0x1  }
0xa4: {  	[sflag:s23] =	ssyncset.done $0x0  }
0xa5: {  	s25 =	simm.s32 $0x1B8E;
	s24 =	sld [smem:$0x3FFE];
	[sflag:s23] =	ssyncadd.s32 $0xFFFFFFFF  }
0xa6: {  	s26 =	simm.s32 $execute0_lowered;
	[smem:$0x3FD2] =	sst s25  }
0xa7: {  	s6 =	sshll.u32 s26, $0x1;
	_ =	strace $0x80000046;
	[dreg:$0x1] =	wrdreg $0xFFFFFFFF  }
0xa8: {  	s28 =	simm.s32 $_size_execute0_lowered;
	s4 =	sadd.s32 s4, s6;
	[dreg:$0x0] =	wrdreg $0x0  }
0xa9: {  	s6 =	sshll.u32 s28, $0x1;
	[dreg:$0x2] =	wrdreg s4  }
0xaa: {  	[dreg:$0x3] =	wrdreg s6  }
0xab: {  	[dreg:$0x4] =	wrdreg $0xC0  }
0xac: {  	_ =	task [dreg:s8], $0x5FFFF  }
0xad: {  	[dreg:$0x1] =	wrdreg $0xFFFFFFFF  }
0xae: {  	[dreg:$0x0] =	wrdreg $0x60  }
0xaf: {  	[dreg:$0x2] =	wrdreg s24  }
0xb0: {  	[dreg:$0x3] =	wrdreg s2  }
0xb1: {  	[dreg:$0x4] =	wrdreg s18  }
0xb2: {  	[dreg:$0x5] =	wrdreg $0x9  }
0xb3: {  	_ =	task.clear_ibuf [dreg:s8], $0x6FFFF;
	_ =	strace $0x90000046  }
0xb4: {  	s29 =	simm.s32 $0x9;
	_ =	strace $0x80000048  }
0xb5: {  	_ =	swait.ge [sflag:s29], $0x1  }
0xb6: {  	[sflag:s29] =	ssyncadd.s32 $0xFFFFFFFF  }
0xb7: {  	_ =	strace $0x90000048  }
0xb8: {  	_ =	sfence  }
0xb9: {  	s30 =	sld [smem:$0x0];
	_ =	sdelay $0x2  }
0xba: {  	s31 =	sshll.u32 s1, $0xD;
	s1 =	sshrl.u32 s1, $0x2  }
0xbb: {  	s3 =	sand.u32 $0x4000, s31;
	s1 =	sadd.s32 s1, s30  }
0xbc: {  	s0 =	sor.u32 s3, s0;
	s1 =	sshll.u32 s1, $0x11  }
0xbd: {  	s0 =	sor.u32 s1, s0  }
0xbe: {  	s0 =	sadd.s32 $0x8F2B, s0  }
0xbf: {  	[sflag:s0] =	ssyncadd.remote.s32 $0x1  }
0xc0: {  	_ =	sfence.sel $0xFFFF  }
0xc1: {  	[dreg:$0x0] =	wrdreg $0xFFFFFFFF;
	(pc) =	sbr.abs _section_cstart, $3  }
0xc2: {  	[dreg:$0x1] =	wrdreg $0xFFFFFFFF  }
0xc3: {  	_ =	task.clear_ibuf [dreg:s8], $0x2FFFF;
	_ =	strace $0x9FFFFFFF  }
0xc4: {  	(tm) =	ssettm $0x7FFFFFFF  }
0xc5: {  	_ =	shalt  }
tec
execute0_lowered:
.L_overlay_start_1:
0x0: {  	(tag) =	ssettag $0x1  }
0x1: {  	s0 =	rddreg [dreg:$0x0]  }
0x2: {  	s20 =	rddreg [dreg:$0x2];
	s4 =	srdreg.scid  }
0x3: {  	s3 =	simm.s32 $0x0;
	s1 =	stileid.u32;
	s28 =	simm.s32 $0x1  }
0x4: {  	s29 =	simm.s32 $0x0;
	s21 =	sand.u32 $0x1, s4;
	[smem:$0x7FF] =	sst s3  }
0x5: {  	s26 =	sshll.u32 s1, $0xB;
	s31 =	sshll.u32 s1, $0x12;
	s5 =	sshll.u32 s21, $0xA  }
0x6: {  	_ =	strace $0x80000047;
	s30 =	ssub.s32 $0x2, s21;
	s4 =	sor.u32 s5, s26  }
0x7: {  	s23 =	sshll.u32 s21, $0x11;
	s7 =	sshrl.u32 s30, $0x1;
	s6 =	sshrl.u32 s4, $0x3  }
0x8: {  	s4 =	sshll.u32 s4, $0x7;
	s22 =	ssub.s32 s30, s7;
	s0 =	sadd.s32 s6, s0  }
0x9: {  	s4 =	sadd.s32 s20, s4;
	s21 =	smax.u32 s22, $0x1;
	s5 =	sadd.s32 $0x400, s0  }
0xa: {  	s6 =	sadd.s32 $0x10, s4;
	s7 =	sadd.s32 $0x20, s4;
	s8 =	sadd.s32 $0x30, s4  }
0xb: {  	s9 =	sadd.s32 $0x40, s4;
	s10 =	sadd.s32 $0x50, s4;
	s11 =	sadd.s32 $0x60, s4  }
.Ltmp0:
0xc: {  	s12 =	sadd.s32 $0x70, s4;
	s13 =	sadd.s32 $0x400, s4;
	(pc) =	sbr.rel .LBB2_1-.Ltmp0, $4  }
0xd: {  	s14 =	sadd.s32 $0x410, s4;
	s15 =	sadd.s32 $0x420, s4;
	s16 =	sadd.s32 $0x430, s4  }
0xe: {  	s17 =	sadd.s32 $0x440, s4;
	s18 =	sadd.s32 $0x450, s4;
	s19 =	sadd.s32 $0x460, s4  }
0xf: {  	s0 =	sadd.s32 s31, s20;
	s20 =	sadd.s32 $0x470, s4;
	s25 =	sadd.s32 $0x80, s4  }
0x10: {  	s26 =	sadd.s32 $0x100, s4;
	s22 =	sadd.s32 s23, s0;
	s23 =	simm.s32 $0x2  }
.LBB2_5:
0x11: {  	s29 =	sadd.s32 $0x1, s29  }
0x12: {  	p0 =	sne.s32 s29, s21  }
.Ltmp1:
0x13: {  	_ = 	snop;
	(pc) =	sbr.rel @!p0 .LBB2_6-.Ltmp1, $1  }
0x14: {  	_ =	sdelay $0x3  }
.LBB2_1:
0x15: {  	s0 =	rddreg [dreg:$0x1]  }
0x16: {  	[tilespmem:s3], [sflag:$0x2] =	stream.linear.gather [hbm4b:s0+s3], $0x2000, $0x38;
	[tilespmem:$0x2400] =	vst v63  }
0x17: {  	_ =	swait.ge [sflag:s23], $0x2000  }
0x18: {  	[sflag:s23] =	ssyncset.done $0x0  }
0x19: {  	s2 =	simm.s32 $0x2000;
	[sflag:s23] =	ssyncadd.s32 $0xFFFFE000  }
0x1a: {  	[tilespmem:s2], [sflag:$0x2] =	stream.linear.gather [hbm4b:s5+s3], $0x400, $0x38;
	[tilespmem:$0x2400] =	vst v63  }
0x1b: {  	_ =	swait.ge [sflag:s23], $0x400  }
0x1c: {  	[sflag:s23] =	ssyncset.done $0x0  }
0x1d: {  	[sflag:s23] =	ssyncadd.s32 $0xFFFFFC00  }
0x1e: {  	v0 =	vld [tilespmem:$0x2000];
	_ =	sdelay $0x4  }
0x1f: {  	(v2sf) =	vpush v0, $0x0;
	_ =	sdelay $0xe  }
0x20: {  	s24 =	spop (v2sf)  }
0x21: {  	s30 =	sshll.u32 s24, $0xA;
	s0 =	sshll.u32 s24, $0x7  }
0x22: {  	(v2sf) =	vpush v0, $0x1;
	s30 =	sand.u32 $0xFFFFE000, s30;
	s0 =	sand.u32 $0x380, s0  }
0x23: {  	s0 =	sor.u32 s0, s30  }
0x24: {  	[hbm4b:s4+s3] =	stream.linear.scatter [tilespmem:s0], [sflag:$0x1], $0x80, $0x38;
	[tilespmem:$0x2400] =	vst v63  }
0x25: {  	s30 =	sor.u32 $0x400, s0  }
0x26: {  	[hbm4b:s25+s3] =	stream.linear.scatter [tilespmem:s30], [sflag:$0x1], $0x80, $0x38;
	[tilespmem:$0x2400] =	vst v63  }
0x27: {  	s30 =	sor.u32 $0x800, s0  }
0x28: {  	[hbm4b:s26+s3] =	stream.linear.scatter [tilespmem:s30], [sflag:$0x1], $0x80, $0x38;
	[tilespmem:$0x2400] =	vst v63  }
0x29: {  	s31 =	sadd.s32 $0x180, s4;
	s30 =	sor.u32 $0xC00, s0  }
0x2a: {  	[hbm4b:s31+s3] =	stream.linear.scatter [tilespmem:s30], [sflag:$0x1], $0x80, $0x38;
	[tilespmem:$0x2400] =	vst v63  }
0x2b: {  	s30 =	sor.u32 $0x1000, s0;
	s31 =	sadd.s32 $0x200, s4  }
0x2c: {  	[hbm4b:s31+s3] =	stream.linear.scatter [tilespmem:s30], [sflag:$0x1], $0x80, $0x38;
	[tilespmem:$0x2400] =	vst v63  }
0x2d: {  	s30 =	sor.u32 $0x1400, s0;
	s31 =	sadd.s32 $0x280, s4  }
0x2e: {  	[hbm4b:s31+s3] =	stream.linear.scatter [tilespmem:s30], [sflag:$0x1], $0x80, $0x38;
	[tilespmem:$0x2400] =	vst v63  }
0x2f: {  	s30 =	sor.u32 $0x1800, s0;
	s31 =	sadd.s32 $0x300, s4  }
0x30: {  	[hbm4b:s31+s3] =	stream.linear.scatter [tilespmem:s30], [sflag:$0x1], $0x80, $0x38;
	[tilespmem:$0x2400] =	vst v63  }
0x31: {  	s0 =	sor.u32 $0x1C00, s0;
	s1 =	spop (v2sf);
	s30 =	sadd.s32 $0x380, s4  }
0x32: {  	[hbm4b:s30+s3] =	stream.linear.scatter [tilespmem:s0], [sflag:$0x1], $0x80, $0x38;
	[tilespmem:$0x2400] =	vst v63  }
0x33: {  	s30 =	sshll.u32 s1, $0xA;
	s0 =	sshll.u32 s1, $0x7  }
0x34: {  	(v2sf) =	vpush v0, $0x2;
	s30 =	sand.u32 $0xFFFFE000, s30;
	s0 =	sand.u32 $0x380, s0  }
0x35: {  	s0 =	sor.u32 s0, s30  }
0x36: {  	[hbm4b:s6+s3] =	stream.linear.scatter [tilespmem:s0], [sflag:$0x1], $0x80, $0x38;
	[tilespmem:$0x2400] =	vst v63  }
0x37: {  	s31 =	sadd.s32 $0x80, s6;
	s30 =	sor.u32 $0x400, s0  }
0x38: {  	[hbm4b:s31+s3] =	stream.linear.scatter [tilespmem:s30], [sflag:$0x1], $0x80, $0x38;
	[tilespmem:$0x2400] =	vst v63  }
0x39: {  	s30 =	sor.u32 $0x800, s0;
	s31 =	sadd.s32 $0x100, s6  }
0x3a: {  	[hbm4b:s31+s3] =	stream.linear.scatter [tilespmem:s30], [sflag:$0x1], $0x80, $0x38;
	[tilespmem:$0x2400] =	vst v63  }
0x3b: {  	s30 =	sor.u32 $0xC00, s0;
	s31 =	sadd.s32 $0x180, s6  }
0x3c: {  	[hbm4b:s31+s3] =	stream.linear.scatter [tilespmem:s30], [sflag:$0x1], $0x80, $0x38;
	[tilespmem:$0x2400] =	vst v63  }
0x3d: {  	s30 =	sor.u32 $0x1000, s0;
	s31 =	sadd.s32 $0x200, s6  }
0x3e: {  	[hbm4b:s31+s3] =	stream.linear.scatter [tilespmem:s30], [sflag:$0x1], $0x80, $0x38;
	[tilespmem:$0x2400] =	vst v63  }
0x3f: {  	s30 =	sor.u32 $0x1400, s0;
	s31 =	sadd.s32 $0x280, s6  }
0x40: {  	[hbm4b:s31+s3] =	stream.linear.scatter [tilespmem:s30], [sflag:$0x1], $0x80, $0x38;
	[tilespmem:$0x2400] =	vst v63  }
0x41: {  	s30 =	sor.u32 $0x1800, s0;
	s31 =	sadd.s32 $0x300, s6  }
0x42: {  	[hbm4b:s31+s3] =	stream.linear.scatter [tilespmem:s30], [sflag:$0x1], $0x80, $0x38;
	[tilespmem:$0x2400] =	vst v63  }
0x43: {  	s2 =	spop (v2sf);
	s0 =	sor.u32 $0x1C00, s0;
	s30 =	sadd.s32 $0x380, s6  }
0x44: {  	[hbm4b:s30+s3] =	stream.linear.scatter [tilespmem:s0], [sflag:$0x1], $0x80, $0x38;
	[tilespmem:$0x2400] =	vst v63  }
0x45: {  	s30 =	sshll.u32 s2, $0xA;
	s0 =	sshll.u32 s2, $0x7  }
0x46: {  	(v2sf) =	vpush v0, $0x3;
	s30 =	sand.u32 $0xFFFFE000, s30;
	s0 =	sand.u32 $0x380, s0  }
0x47: {  	s0 =	sor.u32 s0, s30  }
0x48: {  	[hbm4b:s7+s3] =	stream.linear.scatter [tilespmem:s0], [sflag:$0x1], $0x80, $0x38;
	[tilespmem:$0x2400] =	vst v63  }
0x49: {  	s31 =	sadd.s32 $0x80, s7;
	s30 =	sor.u32 $0x400, s0  }
0x4a: {  	[hbm4b:s31+s3] =	stream.linear.scatter [tilespmem:s30], [sflag:$0x1], $0x80, $0x38;
	[tilespmem:$0x2400] =	vst v63  }
0x4b: {  	s30 =	sor.u32 $0x800, s0;
	s31 =	sadd.s32 $0x100, s7  }
0x4c: {  	[hbm4b:s31+s3] =	stream.linear.scatter [tilespmem:s30], [sflag:$0x1], $0x80, $0x38;
	[tilespmem:$0x2400] =	vst v63  }
0x4d: {  	s30 =	sor.u32 $0xC00, s0;
	s31 =	sadd.s32 $0x180, s7  }
0x4e: {  	[hbm4b:s31+s3] =	stream.linear.scatter [tilespmem:s30], [sflag:$0x1], $0x80, $0x38;
	[tilespmem:$0x2400] =	vst v63  }
0x4f: {  	s30 =	sor.u32 $0x1000, s0;
	s31 =	sadd.s32 $0x200, s7  }
0x50: {  	[hbm4b:s31+s3] =	stream.linear.scatter [tilespmem:s30], [sflag:$0x1], $0x80, $0x38;
	[tilespmem:$0x2400] =	vst v63  }
0x51: {  	s30 =	sor.u32 $0x1400, s0;
	s31 =	sadd.s32 $0x280, s7  }
0x52: {  	[hbm4b:s31+s3] =	stream.linear.scatter [tilespmem:s30], [sflag:$0x1], $0x80, $0x38;
	[tilespmem:$0x2400] =	vst v63  }
0x53: {  	s30 =	sor.u32 $0x1800, s0;
	s31 =	sadd.s32 $0x300, s7  }
0x54: {  	[hbm4b:s31+s3] =	stream.linear.scatter [tilespmem:s30], [sflag:$0x1], $0x80, $0x38;
	[tilespmem:$0x2400] =	vst v63  }
0x55: {  	s24 =	spop (v2sf);
	s0 =	sor.u32 $0x1C00, s0;
	s30 =	sadd.s32 $0x380, s7  }
0x56: {  	[hbm4b:s30+s3] =	stream.linear.scatter [tilespmem:s0], [sflag:$0x1], $0x80, $0x38;
	[tilespmem:$0x2400] =	vst v63  }
0x57: {  	s30 =	sshll.u32 s24, $0xA;
	s0 =	sshll.u32 s24, $0x7  }
0x58: {  	(v2sf) =	vpush v0, $0x4;
	s30 =	sand.u32 $0xFFFFE000, s30;
	s0 =	sand.u32 $0x380, s0  }
0x59: {  	s0 =	sor.u32 s0, s30  }
0x5a: {  	[hbm4b:s8+s3] =	stream.linear.scatter [tilespmem:s0], [sflag:$0x1], $0x80, $0x38;
	[tilespmem:$0x2400] =	vst v63  }
0x5b: {  	s31 =	sadd.s32 $0x80, s8;
	s30 =	sor.u32 $0x400, s0  }
0x5c: {  	[hbm4b:s31+s3] =	stream.linear.scatter [tilespmem:s30], [sflag:$0x1], $0x80, $0x38;
	[tilespmem:$0x2400] =	vst v63  }
0x5d: {  	s30 =	sor.u32 $0x800, s0;
	s31 =	sadd.s32 $0x100, s8  }
0x5e: {  	[hbm4b:s31+s3] =	stream.linear.scatter [tilespmem:s30], [sflag:$0x1], $0x80, $0x38;
	[tilespmem:$0x2400] =	vst v63  }
0x5f: {  	s30 =	sor.u32 $0xC00, s0;
	s31 =	sadd.s32 $0x180, s8  }
0x60: {  	[hbm4b:s31+s3] =	stream.linear.scatter [tilespmem:s30], [sflag:$0x1], $0x80, $0x38;
	[tilespmem:$0x2400] =	vst v63  }
0x61: {  	s30 =	sor.u32 $0x1000, s0;
	s31 =	sadd.s32 $0x200, s8  }
0x62: {  	[hbm4b:s31+s3] =	stream.linear.scatter [tilespmem:s30], [sflag:$0x1], $0x80, $0x38;
	[tilespmem:$0x2400] =	vst v63  }
0x63: {  	s30 =	sor.u32 $0x1400, s0;
	s31 =	sadd.s32 $0x280, s8  }
0x64: {  	[hbm4b:s31+s3] =	stream.linear.scatter [tilespmem:s30], [sflag:$0x1], $0x80, $0x38;
	[tilespmem:$0x2400] =	vst v63  }
0x65: {  	s30 =	sor.u32 $0x1800, s0;
	s31 =	sadd.s32 $0x300, s8  }
0x66: {  	[hbm4b:s31+s3] =	stream.linear.scatter [tilespmem:s30], [sflag:$0x1], $0x80, $0x38;
	[tilespmem:$0x2400] =	vst v63  }
0x67: {  	s1 =	spop (v2sf);
	s0 =	sor.u32 $0x1C00, s0;
	s30 =	sadd.s32 $0x380, s8  }
0x68: {  	[hbm4b:s30+s3] =	stream.linear.scatter [tilespmem:s0], [sflag:$0x1], $0x80, $0x38;
	[tilespmem:$0x2400] =	vst v63  }
0x69: {  	s30 =	sshll.u32 s1, $0xA;
	s0 =	sshll.u32 s1, $0x7  }
0x6a: {  	(v2sf) =	vpush v0, $0x5;
	s30 =	sand.u32 $0xFFFFE000, s30;
	s0 =	sand.u32 $0x380, s0  }
0x6b: {  	s0 =	sor.u32 s0, s30  }
0x6c: {  	[hbm4b:s9+s3] =	stream.linear.scatter [tilespmem:s0], [sflag:$0x1], $0x80, $0x38;
	[tilespmem:$0x2400] =	vst v63  }
0x6d: {  	s31 =	sadd.s32 $0x80, s9;
	s30 =	sor.u32 $0x400, s0  }
0x6e: {  	[hbm4b:s31+s3] =	stream.linear.scatter [tilespmem:s30], [sflag:$0x1], $0x80, $0x38;
	[tilespmem:$0x2400] =	vst v63  }
0x6f: {  	s30 =	sor.u32 $0x800, s0;
	s31 =	sadd.s32 $0x100, s9  }
0x70: {  	[hbm4b:s31+s3] =	stream.linear.scatter [tilespmem:s30], [sflag:$0x1], $0x80, $0x38;
	[tilespmem:$0x2400] =	vst v63  }
0x71: {  	s30 =	sor.u32 $0xC00, s0;
	s31 =	sadd.s32 $0x180, s9  }
0x72: {  	[hbm4b:s31+s3] =	stream.linear.scatter [tilespmem:s30], [sflag:$0x1], $0x80, $0x38;
	[tilespmem:$0x2400] =	vst v63  }
0x73: {  	s30 =	sor.u32 $0x1000, s0;
	s31 =	sadd.s32 $0x200, s9  }
0x74: {  	[hbm4b:s31+s3] =	stream.linear.scatter [tilespmem:s30], [sflag:$0x1], $0x80, $0x38;
	[tilespmem:$0x2400] =	vst v63  }
0x75: {  	s30 =	sor.u32 $0x1400, s0;
	s31 =	sadd.s32 $0x280, s9  }
0x76: {  	[hbm4b:s31+s3] =	stream.linear.scatter [tilespmem:s30], [sflag:$0x1], $0x80, $0x38;
	[tilespmem:$0x2400] =	vst v63  }
0x77: {  	s30 =	sor.u32 $0x1800, s0;
	s31 =	sadd.s32 $0x300, s9  }
0x78: {  	[hbm4b:s31+s3] =	stream.linear.scatter [tilespmem:s30], [sflag:$0x1], $0x80, $0x38;
	[tilespmem:$0x2400] =	vst v63  }
0x79: {  	s2 =	spop (v2sf);
	s0 =	sor.u32 $0x1C00, s0;
	s30 =	sadd.s32 $0x380, s9  }
0x7a: {  	[hbm4b:s30+s3] =	stream.linear.scatter [tilespmem:s0], [sflag:$0x1], $0x80, $0x38;
	[tilespmem:$0x2400] =	vst v63  }
0x7b: {  	s30 =	sshll.u32 s2, $0xA;
	s0 =	sshll.u32 s2, $0x7  }
0x7c: {  	(v2sf) =	vpush v0, $0x6;
	s30 =	sand.u32 $0xFFFFE000, s30;
	s0 =	sand.u32 $0x380, s0  }
0x7d: {  	s0 =	sor.u32 s0, s30  }
0x7e: {  	[hbm4b:s10+s3] =	stream.linear.scatter [tilespmem:s0], [sflag:$0x1], $0x80, $0x38;
	[tilespmem:$0x2400] =	vst v63  }
0x7f: {  	s31 =	sadd.s32 $0x80, s10;
	s30 =	sor.u32 $0x400, s0  }
0x80: {  	[hbm4b:s31+s3] =	stream.linear.scatter [tilespmem:s30], [sflag:$0x1], $0x80, $0x38;
	[tilespmem:$0x2400] =	vst v63  }
0x81: {  	s30 =	sor.u32 $0x800, s0;
	s31 =	sadd.s32 $0x100, s10  }
0x82: {  	[hbm4b:s31+s3] =	stream.linear.scatter [tilespmem:s30], [sflag:$0x1], $0x80, $0x38;
	[tilespmem:$0x2400] =	vst v63  }
0x83: {  	s30 =	sor.u32 $0xC00, s0;
	s31 =	sadd.s32 $0x180, s10  }
0x84: {  	[hbm4b:s31+s3] =	stream.linear.scatter [tilespmem:s30], [sflag:$0x1], $0x80, $0x38;
	[tilespmem:$0x2400] =	vst v63  }
0x85: {  	s30 =	sor.u32 $0x1000, s0;
	s31 =	sadd.s32 $0x200, s10  }
0x86: {  	[hbm4b:s31+s3] =	stream.linear.scatter [tilespmem:s30], [sflag:$0x1], $0x80, $0x38;
	[tilespmem:$0x2400] =	vst v63  }
0x87: {  	s30 =	sor.u32 $0x1400, s0;
	s31 =	sadd.s32 $0x280, s10  }
0x88: {  	[hbm4b:s31+s3] =	stream.linear.scatter [tilespmem:s30], [sflag:$0x1], $0x80, $0x38;
	[tilespmem:$0x2400] =	vst v63  }
0x89: {  	s30 =	sor.u32 $0x1800, s0;
	s31 =	sadd.s32 $0x300, s10  }
0x8a: {  	[hbm4b:s31+s3] =	stream.linear.scatter [tilespmem:s30], [sflag:$0x1], $0x80, $0x38;
	[tilespmem:$0x2400] =	vst v63  }
0x8b: {  	s24 =	spop (v2sf);
	s0 =	sor.u32 $0x1C00, s0;
	s30 =	sadd.s32 $0x380, s10  }
0x8c: {  	[hbm4b:s30+s3] =	stream.linear.scatter [tilespmem:s0], [sflag:$0x1], $0x80, $0x38;
	[tilespmem:$0x2400] =	vst v63  }
0x8d: {  	s30 =	sshll.u32 s24, $0xA;
	s0 =	sshll.u32 s24, $0x7  }
0x8e: {  	(v2sf) =	vpush v0, $0x7;
	s30 =	sand.u32 $0xFFFFE000, s30;
	s0 =	sand.u32 $0x380, s0  }
0x8f: {  	s0 =	sor.u32 s0, s30  }
0x90: {  	[hbm4b:s11+s3] =	stream.linear.scatter [tilespmem:s0], [sflag:$0x1], $0x80, $0x38;
	[tilespmem:$0x2400] =	vst v63  }
0x91: {  	s31 =	sadd.s32 $0x80, s11;
	s30 =	sor.u32 $0x400, s0  }
0x92: {  	[hbm4b:s31+s3] =	stream.linear.scatter [tilespmem:s30], [sflag:$0x1], $0x80, $0x38;
	[tilespmem:$0x2400] =	vst v63  }
0x93: {  	s30 =	sor.u32 $0x800, s0;
	s31 =	sadd.s32 $0x100, s11  }
0x94: {  	[hbm4b:s31+s3] =	stream.linear.scatter [tilespmem:s30], [sflag:$0x1], $0x80, $0x38;
	[tilespmem:$0x2400] =	vst v63  }
0x95: {  	s30 =	sor.u32 $0xC00, s0;
	s31 =	sadd.s32 $0x180, s11  }
0x96: {  	[hbm4b:s31+s3] =	stream.linear.scatter [tilespmem:s30], [sflag:$0x1], $0x80, $0x38;
	[tilespmem:$0x2400] =	vst v63  }
0x97: {  	s30 =	sor.u32 $0x1000, s0;
	s31 =	sadd.s32 $0x200, s11  }
0x98: {  	[hbm4b:s31+s3] =	stream.linear.scatter [tilespmem:s30], [sflag:$0x1], $0x80, $0x38;
	[tilespmem:$0x2400] =	vst v63  }
0x99: {  	s30 =	sor.u32 $0x1400, s0;
	s31 =	sadd.s32 $0x280, s11  }
0x9a: {  	[hbm4b:s31+s3] =	stream.linear.scatter [tilespmem:s30], [sflag:$0x1], $0x80, $0x38;
	[tilespmem:$0x2400] =	vst v63  }
0x9b: {  	s30 =	sor.u32 $0x1800, s0;
	s31 =	sadd.s32 $0x300, s11  }
0x9c: {  	[hbm4b:s31+s3] =	stream.linear.scatter [tilespmem:s30], [sflag:$0x1], $0x80, $0x38;
	[tilespmem:$0x2400] =	vst v63  }
0x9d: {  	s1 =	spop (v2sf);
	s0 =	sor.u32 $0x1C00, s0;
	s30 =	sadd.s32 $0x380, s11  }
0x9e: {  	[hbm4b:s30+s3] =	stream.linear.scatter [tilespmem:s0], [sflag:$0x1], $0x80, $0x38;
	[tilespmem:$0x2400] =	vst v63  }
0x9f: {  	s30 =	sshll.u32 s1, $0xA;
	s0 =	sshll.u32 s1, $0x7  }
0xa0: {  	(v2sf) =	vpush v0, $0x8;
	s30 =	sand.u32 $0xFFFFE000, s30;
	s0 =	sand.u32 $0x380, s0  }
0xa1: {  	s0 =	sor.u32 s0, s30  }
0xa2: {  	[hbm4b:s12+s3] =	stream.linear.scatter [tilespmem:s0], [sflag:$0x1], $0x80, $0x38;
	[tilespmem:$0x2400] =	vst v63  }
0xa3: {  	s31 =	sadd.s32 $0x80, s12;
	s30 =	sor.u32 $0x400, s0  }
0xa4: {  	[hbm4b:s31+s3] =	stream.linear.scatter [tilespmem:s30], [sflag:$0x1], $0x80, $0x38;
	[tilespmem:$0x2400] =	vst v63  }
0xa5: {  	s30 =	sor.u32 $0x800, s0;
	s31 =	sadd.s32 $0x100, s12  }
0xa6: {  	[hbm4b:s31+s3] =	stream.linear.scatter [tilespmem:s30], [sflag:$0x1], $0x80, $0x38;
	[tilespmem:$0x2400] =	vst v63  }
0xa7: {  	s30 =	sor.u32 $0xC00, s0;
	s31 =	sadd.s32 $0x180, s12  }
0xa8: {  	[hbm4b:s31+s3] =	stream.linear.scatter [tilespmem:s30], [sflag:$0x1], $0x80, $0x38;
	[tilespmem:$0x2400] =	vst v63  }
0xa9: {  	s30 =	sor.u32 $0x1000, s0;
	s31 =	sadd.s32 $0x200, s12  }
0xaa: {  	[hbm4b:s31+s3] =	stream.linear.scatter [tilespmem:s30], [sflag:$0x1], $0x80, $0x38;
	[tilespmem:$0x2400] =	vst v63  }
0xab: {  	s30 =	sor.u32 $0x1400, s0;
	s31 =	sadd.s32 $0x280, s12  }
0xac: {  	[hbm4b:s31+s3] =	stream.linear.scatter [tilespmem:s30], [sflag:$0x1], $0x80, $0x38;
	[tilespmem:$0x2400] =	vst v63  }
0xad: {  	s30 =	sor.u32 $0x1800, s0;
	s31 =	sadd.s32 $0x300, s12  }
0xae: {  	[hbm4b:s31+s3] =	stream.linear.scatter [tilespmem:s30], [sflag:$0x1], $0x80, $0x38;
	[tilespmem:$0x2400] =	vst v63  }
0xaf: {  	s2 =	spop (v2sf);
	s0 =	sor.u32 $0x1C00, s0;
	s30 =	sadd.s32 $0x380, s12  }
0xb0: {  	[hbm4b:s30+s3] =	stream.linear.scatter [tilespmem:s0], [sflag:$0x1], $0x80, $0x38;
	[tilespmem:$0x2400] =	vst v63  }
0xb1: {  	s30 =	sshll.u32 s2, $0xA;
	s0 =	sshll.u32 s2, $0x7  }
0xb2: {  	(v2sf) =	vpush v0, $0x9;
	s30 =	sand.u32 $0xFFFFE000, s30;
	s0 =	sand.u32 $0x380, s0  }
0xb3: {  	s0 =	sor.u32 s0, s30  }
0xb4: {  	[hbm4b:s13+s3] =	stream.linear.scatter [tilespmem:s0], [sflag:$0x1], $0x80, $0x38;
	[tilespmem:$0x2400] =	vst v63  }
0xb5: {  	s31 =	sadd.s32 $0x80, s13;
	s30 =	sor.u32 $0x400, s0  }
0xb6: {  	[hbm4b:s31+s3] =	stream.linear.scatter [tilespmem:s30], [sflag:$0x1], $0x80, $0x38;
	[tilespmem:$0x2400] =	vst v63  }
0xb7: {  	s30 =	sor.u32 $0x800, s0;
	s31 =	sadd.s32 $0x100, s13  }
0xb8: {  	[hbm4b:s31+s3] =	stream.linear.scatter [tilespmem:s30], [sflag:$0x1], $0x80, $0x38;
	[tilespmem:$0x2400] =	vst v63  }
0xb9: {  	s30 =	sor.u32 $0xC00, s0;
	s31 =	sadd.s32 $0x180, s13  }
0xba: {  	[hbm4b:s31+s3] =	stream.linear.scatter [tilespmem:s30], [sflag:$0x1], $0x80, $0x38;
	[tilespmem:$0x2400] =	vst v63  }
0xbb: {  	s30 =	sor.u32 $0x1000, s0;
	s31 =	sadd.s32 $0x200, s13  }
0xbc: {  	[hbm4b:s31+s3] =	stream.linear.scatter [tilespmem:s30], [sflag:$0x1], $0x80, $0x38;
	[tilespmem:$0x2400] =	vst v63  }
0xbd: {  	s30 =	sor.u32 $0x1400, s0;
	s31 =	sadd.s32 $0x280, s13  }
0xbe: {  	[hbm4b:s31+s3] =	stream.linear.scatter [tilespmem:s30], [sflag:$0x1], $0x80, $0x38;
	[tilespmem:$0x2400] =	vst v63  }
0xbf: {  	s30 =	sor.u32 $0x1800, s0;
	s31 =	sadd.s32 $0x300, s13  }
0xc0: {  	[hbm4b:s31+s3] =	stream.linear.scatter [tilespmem:s30], [sflag:$0x1], $0x80, $0x38;
	[tilespmem:$0x2400] =	vst v63  }
0xc1: {  	s24 =	spop (v2sf);
	s0 =	sor.u32 $0x1C00, s0;
	s30 =	sadd.s32 $0x380, s13  }
0xc2: {  	[hbm4b:s30+s3] =	stream.linear.scatter [tilespmem:s0], [sflag:$0x1], $0x80, $0x38;
	[tilespmem:$0x2400] =	vst v63  }
0xc3: {  	s30 =	sshll.u32 s24, $0xA;
	s0 =	sshll.u32 s24, $0x7  }
0xc4: {  	(v2sf) =	vpush v0, $0xA;
	s30 =	sand.u32 $0xFFFFE000, s30;
	s0 =	sand.u32 $0x380, s0  }
0xc5: {  	s0 =	sor.u32 s0, s30  }
0xc6: {  	[hbm4b:s14+s3] =	stream.linear.scatter [tilespmem:s0], [sflag:$0x1], $0x80, $0x38;
	[tilespmem:$0x2400] =	vst v63  }
0xc7: {  	s31 =	sadd.s32 $0x80, s14;
	s30 =	sor.u32 $0x400, s0  }
0xc8: {  	[hbm4b:s31+s3] =	stream.linear.scatter [tilespmem:s30], [sflag:$0x1], $0x80, $0x38;
	[tilespmem:$0x2400] =	vst v63  }
0xc9: {  	s30 =	sor.u32 $0x800, s0;
	s31 =	sadd.s32 $0x100, s14  }
0xca: {  	[hbm4b:s31+s3] =	stream.linear.scatter [tilespmem:s30], [sflag:$0x1], $0x80, $0x38;
	[tilespmem:$0x2400] =	vst v63  }
0xcb: {  	s30 =	sor.u32 $0xC00, s0;
	s31 =	sadd.s32 $0x180, s14  }
0xcc: {  	[hbm4b:s31+s3] =	stream.linear.scatter [tilespmem:s30], [sflag:$0x1], $0x80, $0x38;
	[tilespmem:$0x2400] =	vst v63  }
0xcd: {  	s30 =	sor.u32 $0x1000, s0;
	s31 =	sadd.s32 $0x200, s14  }
0xce: {  	[hbm4b:s31+s3] =	stream.linear.scatter [tilespmem:s30], [sflag:$0x1], $0x80, $0x38;
	[tilespmem:$0x2400] =	vst v63  }
0xcf: {  	s30 =	sor.u32 $0x1400, s0;
	s31 =	sadd.s32 $0x280, s14  }
0xd0: {  	[hbm4b:s31+s3] =	stream.linear.scatter [tilespmem:s30], [sflag:$0x1], $0x80, $0x38;
	[tilespmem:$0x2400] =	vst v63  }
0xd1: {  	s30 =	sor.u32 $0x1800, s0;
	s31 =	sadd.s32 $0x300, s14  }
0xd2: {  	[hbm4b:s31+s3] =	stream.linear.scatter [tilespmem:s30], [sflag:$0x1], $0x80, $0x38;
	[tilespmem:$0x2400] =	vst v63  }
0xd3: {  	s1 =	spop (v2sf);
	s0 =	sor.u32 $0x1C00, s0;
	s30 =	sadd.s32 $0x380, s14  }
0xd4: {  	[hbm4b:s30+s3] =	stream.linear.scatter [tilespmem:s0], [sflag:$0x1], $0x80, $0x38;
	[tilespmem:$0x2400] =	vst v63  }
0xd5: {  	s30 =	sshll.u32 s1, $0xA;
	s0 =	sshll.u32 s1, $0x7  }
0xd6: {  	(v2sf) =	vpush v0, $0xB;
	s30 =	sand.u32 $0xFFFFE000, s30;
	s0 =	sand.u32 $0x380, s0  }
0xd7: {  	s0 =	sor.u32 s0, s30  }
0xd8: {  	[hbm4b:s15+s3] =	stream.linear.scatter [tilespmem:s0], [sflag:$0x1], $0x80, $0x38;
	[tilespmem:$0x2400] =	vst v63  }
0xd9: {  	s31 =	sadd.s32 $0x80, s15;
	s30 =	sor.u32 $0x400, s0  }
0xda: {  	[hbm4b:s31+s3] =	stream.linear.scatter [tilespmem:s30], [sflag:$0x1], $0x80, $0x38;
	[tilespmem:$0x2400] =	vst v63  }
0xdb: {  	s30 =	sor.u32 $0x800, s0;
	s31 =	sadd.s32 $0x100, s15  }
0xdc: {  	[hbm4b:s31+s3] =	stream.linear.scatter [tilespmem:s30], [sflag:$0x1], $0x80, $0x38;
	[tilespmem:$0x2400] =	vst v63  }
0xdd: {  	s30 =	sor.u32 $0xC00, s0;
	s31 =	sadd.s32 $0x180, s15  }
0xde: {  	[hbm4b:s31+s3] =	stream.linear.scatter [tilespmem:s30], [sflag:$0x1], $0x80, $0x38;
	[tilespmem:$0x2400] =	vst v63  }
0xdf: {  	s30 =	sor.u32 $0x1000, s0;
	s31 =	sadd.s32 $0x200, s15  }
0xe0: {  	[hbm4b:s31+s3] =	stream.linear.scatter [tilespmem:s30], [sflag:$0x1], $0x80, $0x38;
	[tilespmem:$0x2400] =	vst v63  }
0xe1: {  	s30 =	sor.u32 $0x1400, s0;
	s31 =	sadd.s32 $0x280, s15  }
0xe2: {  	[hbm4b:s31+s3] =	stream.linear.scatter [tilespmem:s30], [sflag:$0x1], $0x80, $0x38;
	[tilespmem:$0x2400] =	vst v63  }
0xe3: {  	s30 =	sor.u32 $0x1800, s0;
	s31 =	sadd.s32 $0x300, s15  }
0xe4: {  	[hbm4b:s31+s3] =	stream.linear.scatter [tilespmem:s30], [sflag:$0x1], $0x80, $0x38;
	[tilespmem:$0x2400] =	vst v63  }
0xe5: {  	s2 =	spop (v2sf);
	s0 =	sor.u32 $0x1C00, s0;
	s30 =	sadd.s32 $0x380, s15  }
0xe6: {  	[hbm4b:s30+s3] =	stream.linear.scatter [tilespmem:s0], [sflag:$0x1], $0x80, $0x38;
	[tilespmem:$0x2400] =	vst v63  }
0xe7: {  	s30 =	sshll.u32 s2, $0xA;
	s0 =	sshll.u32 s2, $0x7  }
0xe8: {  	(v2sf) =	vpush v0, $0xC;
	s30 =	sand.u32 $0xFFFFE000, s30;
	s0 =	sand.u32 $0x380, s0  }
0xe9: {  	s0 =	sor.u32 s0, s30  }
0xea: {  	[hbm4b:s16+s3] =	stream.linear.scatter [tilespmem:s0], [sflag:$0x1], $0x80, $0x38;
	[tilespmem:$0x2400] =	vst v63  }
0xeb: {  	s31 =	sadd.s32 $0x80, s16;
	s30 =	sor.u32 $0x400, s0  }
0xec: {  	[hbm4b:s31+s3] =	stream.linear.scatter [tilespmem:s30], [sflag:$0x1], $0x80, $0x38;
	[tilespmem:$0x2400] =	vst v63  }
0xed: {  	s30 =	sor.u32 $0x800, s0;
	s31 =	sadd.s32 $0x100, s16  }
0xee: {  	[hbm4b:s31+s3] =	stream.linear.scatter [tilespmem:s30], [sflag:$0x1], $0x80, $0x38;
	[tilespmem:$0x2400] =	vst v63  }
0xef: {  	s30 =	sor.u32 $0xC00, s0;
	s31 =	sadd.s32 $0x180, s16  }
0xf0: {  	[hbm4b:s31+s3] =	stream.linear.scatter [tilespmem:s30], [sflag:$0x1], $0x80, $0x38;
	[tilespmem:$0x2400] =	vst v63  }
0xf1: {  	s30 =	sor.u32 $0x1000, s0;
	s31 =	sadd.s32 $0x200, s16  }
0xf2: {  	[hbm4b:s31+s3] =	stream.linear.scatter [tilespmem:s30], [sflag:$0x1], $0x80, $0x38;
	[tilespmem:$0x2400] =	vst v63  }
0xf3: {  	s30 =	sor.u32 $0x1400, s0;
	s31 =	sadd.s32 $0x280, s16  }
0xf4: {  	[hbm4b:s31+s3] =	stream.linear.scatter [tilespmem:s30], [sflag:$0x1], $0x80, $0x38;
	[tilespmem:$0x2400] =	vst v63  }
0xf5: {  	s30 =	sor.u32 $0x1800, s0;
	s31 =	sadd.s32 $0x300, s16  }
0xf6: {  	[hbm4b:s31+s3] =	stream.linear.scatter [tilespmem:s30], [sflag:$0x1], $0x80, $0x38;
	[tilespmem:$0x2400] =	vst v63  }
0xf7: {  	s24 =	spop (v2sf);
	s0 =	sor.u32 $0x1C00, s0;
	s30 =	sadd.s32 $0x380, s16  }
0xf8: {  	[hbm4b:s30+s3] =	stream.linear.scatter [tilespmem:s0], [sflag:$0x1], $0x80, $0x38;
	[tilespmem:$0x2400] =	vst v63  }
0xf9: {  	s30 =	sshll.u32 s24, $0xA;
	s0 =	sshll.u32 s24, $0x7  }
0xfa: {  	(v2sf) =	vpush v0, $0xD;
	s30 =	sand.u32 $0xFFFFE000, s30;
	s0 =	sand.u32 $0x380, s0  }
0xfb: {  	s0 =	sor.u32 s0, s30  }
0xfc: {  	[hbm4b:s17+s3] =	stream.linear.scatter [tilespmem:s0], [sflag:$0x1], $0x80, $0x38;
	[tilespmem:$0x2400] =	vst v63  }
0xfd: {  	s31 =	sadd.s32 $0x80, s17;
	s30 =	sor.u32 $0x400, s0  }
0xfe: {  	[hbm4b:s31+s3] =	stream.linear.scatter [tilespmem:s30], [sflag:$0x1], $0x80, $0x38;
	[tilespmem:$0x2400] =	vst v63  }
0xff: {  	s30 =	sor.u32 $0x800, s0;
	s31 =	sadd.s32 $0x100, s17  }
0x100: {  	[hbm4b:s31+s3] =	stream.linear.scatter [tilespmem:s30], [sflag:$0x1], $0x80, $0x38;
	[tilespmem:$0x2400] =	vst v63  }
0x101: {  	s30 =	sor.u32 $0xC00, s0;
	s31 =	sadd.s32 $0x180, s17  }
0x102: {  	[hbm4b:s31+s3] =	stream.linear.scatter [tilespmem:s30], [sflag:$0x1], $0x80, $0x38;
	[tilespmem:$0x2400] =	vst v63  }
0x103: {  	s30 =	sor.u32 $0x1000, s0;
	s31 =	sadd.s32 $0x200, s17  }
0x104: {  	[hbm4b:s31+s3] =	stream.linear.scatter [tilespmem:s30], [sflag:$0x1], $0x80, $0x38;
	[tilespmem:$0x2400] =	vst v63  }
0x105: {  	s30 =	sor.u32 $0x1400, s0;
	s31 =	sadd.s32 $0x280, s17  }
0x106: {  	[hbm4b:s31+s3] =	stream.linear.scatter [tilespmem:s30], [sflag:$0x1], $0x80, $0x38;
	[tilespmem:$0x2400] =	vst v63  }
0x107: {  	s30 =	sor.u32 $0x1800, s0;
	s31 =	sadd.s32 $0x300, s17  }
0x108: {  	[hbm4b:s31+s3] =	stream.linear.scatter [tilespmem:s30], [sflag:$0x1], $0x80, $0x38;
	[tilespmem:$0x2400] =	vst v63  }
0x109: {  	s1 =	spop (v2sf);
	s0 =	sor.u32 $0x1C00, s0;
	s30 =	sadd.s32 $0x380, s17  }
0x10a: {  	[hbm4b:s30+s3] =	stream.linear.scatter [tilespmem:s0], [sflag:$0x1], $0x80, $0x38;
	[tilespmem:$0x2400] =	vst v63  }
0x10b: {  	s30 =	sshll.u32 s1, $0xA;
	s0 =	sshll.u32 s1, $0x7  }
0x10c: {  	(v2sf) =	vpush v0, $0xE;
	s30 =	sand.u32 $0xFFFFE000, s30;
	s0 =	sand.u32 $0x380, s0  }
0x10d: {  	s0 =	sor.u32 s0, s30  }
0x10e: {  	[hbm4b:s18+s3] =	stream.linear.scatter [tilespmem:s0], [sflag:$0x1], $0x80, $0x38;
	[tilespmem:$0x2400] =	vst v63  }
0x10f: {  	s31 =	sadd.s32 $0x80, s18;
	s30 =	sor.u32 $0x400, s0  }
0x110: {  	[hbm4b:s31+s3] =	stream.linear.scatter [tilespmem:s30], [sflag:$0x1], $0x80, $0x38;
	[tilespmem:$0x2400] =	vst v63  }
0x111: {  	s30 =	sor.u32 $0x800, s0;
	s31 =	sadd.s32 $0x100, s18  }
0x112: {  	[hbm4b:s31+s3] =	stream.linear.scatter [tilespmem:s30], [sflag:$0x1], $0x80, $0x38;
	[tilespmem:$0x2400] =	vst v63  }
0x113: {  	s30 =	sor.u32 $0xC00, s0;
	s31 =	sadd.s32 $0x180, s18  }
0x114: {  	[hbm4b:s31+s3] =	stream.linear.scatter [tilespmem:s30], [sflag:$0x1], $0x80, $0x38;
	[tilespmem:$0x2400] =	vst v63  }
0x115: {  	s30 =	sor.u32 $0x1000, s0;
	s31 =	sadd.s32 $0x200, s18  }
0x116: {  	[hbm4b:s31+s3] =	stream.linear.scatter [tilespmem:s30], [sflag:$0x1], $0x80, $0x38;
	[tilespmem:$0x2400] =	vst v63  }
0x117: {  	s30 =	sor.u32 $0x1400, s0;
	s31 =	sadd.s32 $0x280, s18  }
0x118: {  	[hbm4b:s31+s3] =	stream.linear.scatter [tilespmem:s30], [sflag:$0x1], $0x80, $0x38;
	[tilespmem:$0x2400] =	vst v63  }
0x119: {  	s30 =	sor.u32 $0x1800, s0;
	s31 =	sadd.s32 $0x300, s18  }
0x11a: {  	[hbm4b:s31+s3] =	stream.linear.scatter [tilespmem:s30], [sflag:$0x1], $0x80, $0x38;
	[tilespmem:$0x2400] =	vst v63  }
0x11b: {  	s2 =	spop (v2sf);
	s0 =	sor.u32 $0x1C00, s0;
	s30 =	sadd.s32 $0x380, s18  }
0x11c: {  	[hbm4b:s30+s3] =	stream.linear.scatter [tilespmem:s0], [sflag:$0x1], $0x80, $0x38;
	[tilespmem:$0x2400] =	vst v63  }
0x11d: {  	s30 =	sshll.u32 s2, $0xA;
	s0 =	sshll.u32 s2, $0x7  }
0x11e: {  	(v2sf) =	vpush v0, $0xF;
	s30 =	sand.u32 $0xFFFFE000, s30;
	s0 =	sand.u32 $0x380, s0  }
0x11f: {  	s0 =	sor.u32 s0, s30  }
0x120: {  	[hbm4b:s19+s3] =	stream.linear.scatter [tilespmem:s0], [sflag:$0x1], $0x80, $0x38;
	[tilespmem:$0x2400] =	vst v63  }
0x121: {  	s31 =	sadd.s32 $0x80, s19;
	s30 =	sor.u32 $0x400, s0  }
0x122: {  	[hbm4b:s31+s3] =	stream.linear.scatter [tilespmem:s30], [sflag:$0x1], $0x80, $0x38;
	[tilespmem:$0x2400] =	vst v63  }
0x123: {  	s30 =	sor.u32 $0x800, s0;
	s31 =	sadd.s32 $0x100, s19  }
0x124: {  	[hbm4b:s31+s3] =	stream.linear.scatter [tilespmem:s30], [sflag:$0x1], $0x80, $0x38;
	[tilespmem:$0x2400] =	vst v63  }
0x125: {  	s30 =	sor.u32 $0xC00, s0;
	s31 =	sadd.s32 $0x180, s19  }
0x126: {  	[hbm4b:s31+s3] =	stream.linear.scatter [tilespmem:s30], [sflag:$0x1], $0x80, $0x38;
	[tilespmem:$0x2400] =	vst v63  }
0x127: {  	s30 =	sor.u32 $0x1000, s0;
	s31 =	sadd.s32 $0x200, s19  }
0x128: {  	[hbm4b:s31+s3] =	stream.linear.scatter [tilespmem:s30], [sflag:$0x1], $0x80, $0x38;
	[tilespmem:$0x2400] =	vst v63  }
0x129: {  	s30 =	sor.u32 $0x1400, s0;
	s31 =	sadd.s32 $0x280, s19  }
0x12a: {  	[hbm4b:s31+s3] =	stream.linear.scatter [tilespmem:s30], [sflag:$0x1], $0x80, $0x38;
	[tilespmem:$0x2400] =	vst v63  }
0x12b: {  	s30 =	sor.u32 $0x1800, s0;
	s31 =	sadd.s32 $0x300, s19  }
0x12c: {  	[hbm4b:s31+s3] =	stream.linear.scatter [tilespmem:s30], [sflag:$0x1], $0x80, $0x38;
	[tilespmem:$0x2400] =	vst v63  }
0x12d: {  	s24 =	spop (v2sf);
	s0 =	sor.u32 $0x1C00, s0;
	s30 =	sadd.s32 $0x380, s19  }
0x12e: {  	[hbm4b:s30+s3] =	stream.linear.scatter [tilespmem:s0], [sflag:$0x1], $0x80, $0x38;
	[tilespmem:$0x2400] =	vst v63  }
0x12f: {  	s30 =	sshll.u32 s24, $0xA;
	s0 =	sshll.u32 s24, $0x7  }
0x130: {  	s30 =	sand.u32 $0xFFFFE000, s30;
	s0 =	sand.u32 $0x380, s0  }
0x131: {  	s0 =	sor.u32 s0, s30  }
0x132: {  	[hbm4b:s20+s3] =	stream.linear.scatter [tilespmem:s0], [sflag:$0x1], $0x80, $0x38;
	[tilespmem:$0x2400] =	vst v63  }
0x133: {  	s31 =	sadd.s32 $0x80, s20;
	s30 =	sor.u32 $0x400, s0  }
0x134: {  	[hbm4b:s31+s3] =	stream.linear.scatter [tilespmem:s30], [sflag:$0x1], $0x80, $0x38;
	[tilespmem:$0x2400] =	vst v63  }
0x135: {  	s30 =	sor.u32 $0x800, s0;
	s31 =	sadd.s32 $0x100, s20  }
0x136: {  	[hbm4b:s31+s3] =	stream.linear.scatter [tilespmem:s30], [sflag:$0x1], $0x80, $0x38;
	[tilespmem:$0x2400] =	vst v63  }
0x137: {  	s30 =	sor.u32 $0xC00, s0;
	s31 =	sadd.s32 $0x180, s20  }
0x138: {  	[hbm4b:s31+s3] =	stream.linear.scatter [tilespmem:s30], [sflag:$0x1], $0x80, $0x38;
	[tilespmem:$0x2400] =	vst v63  }
0x139: {  	s30 =	sor.u32 $0x1000, s0;
	s31 =	sadd.s32 $0x200, s20  }
0x13a: {  	[hbm4b:s31+s3] =	stream.linear.scatter [tilespmem:s30], [sflag:$0x1], $0x80, $0x38;
	[tilespmem:$0x2400] =	vst v63  }
0x13b: {  	s30 =	sor.u32 $0x1400, s0;
	s31 =	sadd.s32 $0x280, s20  }
0x13c: {  	[hbm4b:s31+s3] =	stream.linear.scatter [tilespmem:s30], [sflag:$0x1], $0x80, $0x38;
	[tilespmem:$0x2400] =	vst v63  }
.Ltmp2:
0x13d: {  	s30 =	sor.u32 $0x1800, s0;
	s31 =	sadd.s32 $0x300, s20;
	(pc) =	sbr.rel .LBB2_2-.Ltmp2, $4  }
0x13e: {  	[hbm4b:s31+s3] =	stream.linear.scatter [tilespmem:s30], [sflag:$0x1], $0x80, $0x38;
	[tilespmem:$0x2400] =	vst v63  }
0x13f: {  	s0 =	sor.u32 $0x1C00, s0;
	s30 =	sadd.s32 $0x380, s20  }
0x140: {  	[hbm4b:s30+s3] =	stream.linear.scatter [tilespmem:s0], [sflag:$0x1], $0x80, $0x38;
	[tilespmem:$0x2400] =	vst v63  }
0x141: {  	s31 =	simm.s32 $0x0;
	s30 =	simm.s32 $0x2010  }
.LBB2_4:
0x142: {  	_ =	swait.ge [sflag:s28], $0x400  }
0x143: {  	[sflag:s28] =	ssyncset.done $0x0  }
0x144: {  	[sflag:s28] =	ssyncadd.s32 $0xFFFFFC00  }
0x145: {  	_ =	swait.ge [sflag:s28], $0x400  }
0x146: {  	[sflag:s28] =	ssyncset.done $0x0  }
0x147: {  	[sflag:s28] =	ssyncadd.s32 $0xFFFFFC00  }
0x148: {  	_ =	swait.ge [sflag:s28], $0x400  }
0x149: {  	[sflag:s28] =	ssyncset.done $0x0  }
0x14a: {  	[sflag:s28] =	ssyncadd.s32 $0xFFFFFC00  }
0x14b: {  	_ =	swait.ge [sflag:s28], $0x400  }
0x14c: {  	[sflag:s28] =	ssyncset.done $0x0  }
0x14d: {  	[sflag:s28] =	ssyncadd.s32 $0xFFFFFC00  }
0x14e: {  	_ =	swait.ge [sflag:s28], $0x400  }
0x14f: {  	[sflag:s28] =	ssyncset.done $0x0  }
0x150: {  	[sflag:s28] =	ssyncadd.s32 $0xFFFFFC00  }
0x151: {  	_ =	swait.ge [sflag:s28], $0x400  }
0x152: {  	[sflag:s28] =	ssyncset.done $0x0  }
0x153: {  	[sflag:s28] =	ssyncadd.s32 $0xFFFFFC00  }
0x154: {  	_ =	swait.ge [sflag:s28], $0x400  }
0x155: {  	[sflag:s28] =	ssyncset.done $0x0  }
0x156: {  	[sflag:s28] =	ssyncadd.s32 $0xFFFFFC00  }
0x157: {  	_ =	swait.ge [sflag:s28], $0x400  }
0x158: {  	[sflag:s28] =	ssyncset.done $0x0  }
0x159: {  	[sflag:s28] =	ssyncadd.s32 $0xFFFFFC00  }
0x15a: {  	_ =	swait.ge [sflag:s28], $0x400  }
0x15b: {  	[sflag:s28] =	ssyncset.done $0x0  }
0x15c: {  	[sflag:s28] =	ssyncadd.s32 $0xFFFFFC00  }
0x15d: {  	_ =	swait.ge [sflag:s28], $0x400  }
0x15e: {  	[sflag:s28] =	ssyncset.done $0x0  }
0x15f: {  	[sflag:s28] =	ssyncadd.s32 $0xFFFFFC00  }
0x160: {  	_ =	swait.ge [sflag:s28], $0x400  }
0x161: {  	[sflag:s28] =	ssyncset.done $0x0  }
0x162: {  	[sflag:s28] =	ssyncadd.s32 $0xFFFFFC00  }
0x163: {  	_ =	swait.ge [sflag:s28], $0x400  }
0x164: {  	[sflag:s28] =	ssyncset.done $0x0  }
0x165: {  	[sflag:s28] =	ssyncadd.s32 $0xFFFFFC00  }
0x166: {  	_ =	swait.ge [sflag:s28], $0x400  }
0x167: {  	[sflag:s28] =	ssyncset.done $0x0  }
0x168: {  	[sflag:s28] =	ssyncadd.s32 $0xFFFFFC00  }
0x169: {  	_ =	swait.ge [sflag:s28], $0x400  }
0x16a: {  	[sflag:s28] =	ssyncset.done $0x0  }
0x16b: {  	s31 =	sadd.s32 $0x800, s31;
	[sflag:s28] =	ssyncadd.s32 $0xFFFFFC00  }
0x16c: {  	p0 =	sne.s32 s31, $0x20000;
	_ =	swait.ge [sflag:s28], $0x400  }
.Ltmp3:
0x16d: {  	[sflag:s28] =	ssyncset.done $0x0;
	(pc) =	sbr.rel @!p0 .LBB2_5-.Ltmp3, $4  }
0x16e: {  	[sflag:s28] =	ssyncadd.s32 $0xFFFFFC00  }
0x16f: {  	_ =	swait.ge [sflag:s28], $0x400  }
0x170: {  	[sflag:s28] =	ssyncset.done $0x0  }
0x171: {  	s30 =	sadd.s32 $0x10, s30;
	[sflag:s28] =	ssyncadd.s32 $0xFFFFFC00  }
.LBB2_2:
0x172: {  	p0 =	seq.s32 s31, $0x1F800  }
.Ltmp4:
0x173: {  	_ = 	snop;
	(pc) =	sbr.rel @p0 .LBB2_4-.Ltmp4, $1  }
0x174: {  	_ =	sdelay $0x3  }
0x175: {  	v0 =	vld [tilespmem:s30+$0x0];
	_ =	sdelay $0x4  }
0x176: {  	(v2sf) =	vpush v0, $0x0;
	_ =	sdelay $0xe  }
0x177: {  	s0 =	spop (v2sf)  }
0x178: {  	s2 =	sshll.u32 s0, $0xA;
	s1 =	sshll.u32 s0, $0x7  }
0x179: {  	(v2sf) =	vpush v0, $0x1;
	s0 =	sadd.s32 s31, s22;
	s2 =	sand.u32 $0xFFFFE000, s2;
	s1 =	sand.u32 $0x380, s1  }
0x17a: {  	s24 =	sadd.s32 $0x800, s0;
	s1 =	sor.u32 s1, s2  }
0x17b: {  	[hbm4b:s24+s3] =	stream.linear.scatter [tilespmem:s1], [sflag:$0x1], $0x80, $0x38;
	[tilespmem:$0x2400] =	vst v63  }
0x17c: {  	s2 =	sor.u32 $0x400, s1;
	s24 =	sadd.s32 $0x880, s0  }
0x17d: {  	[hbm4b:s24+s3] =	stream.linear.scatter [tilespmem:s2], [sflag:$0x1], $0x80, $0x38;
	[tilespmem:$0x2400] =	vst v63  }
0x17e: {  	s2 =	sor.u32 $0x800, s1;
	s24 =	sadd.s32 $0x900, s0  }
0x17f: {  	[hbm4b:s24+s3] =	stream.linear.scatter [tilespmem:s2], [sflag:$0x1], $0x80, $0x38;
	[tilespmem:$0x2400] =	vst v63  }
0x180: {  	s2 =	sor.u32 $0xC00, s1;
	s24 =	sadd.s32 $0x980, s0  }
0x181: {  	[hbm4b:s24+s3] =	stream.linear.scatter [tilespmem:s2], [sflag:$0x1], $0x80, $0x38;
	[tilespmem:$0x2400] =	vst v63  }
0x182: {  	s2 =	sor.u32 $0x1000, s1;
	s24 =	sadd.s32 $0xA00, s0  }
0x183: {  	[hbm4b:s24+s3] =	stream.linear.scatter [tilespmem:s2], [sflag:$0x1], $0x80, $0x38;
	[tilespmem:$0x2400] =	vst v63  }
0x184: {  	s2 =	sor.u32 $0x1400, s1;
	s24 =	sadd.s32 $0xA80, s0  }
0x185: {  	[hbm4b:s24+s3] =	stream.linear.scatter [tilespmem:s2], [sflag:$0x1], $0x80, $0x38;
	[tilespmem:$0x2400] =	vst v63  }
0x186: {  	s2 =	sor.u32 $0x1800, s1;
	s24 =	sadd.s32 $0xB00, s0  }
0x187: {  	[hbm4b:s24+s3] =	stream.linear.scatter [tilespmem:s2], [sflag:$0x1], $0x80, $0x38;
	[tilespmem:$0x2400] =	vst v63  }
0x188: {  	s1 =	sor.u32 $0x1C00, s1;
	s24 =	sadd.s32 $0xB80, s0;
	s2 =	spop (v2sf)  }
0x189: {  	[hbm4b:s24+s3] =	stream.linear.scatter [tilespmem:s1], [sflag:$0x1], $0x80, $0x38;
	[tilespmem:$0x2400] =	vst v63  }
0x18a: {  	s24 =	sshll.u32 s2, $0xA;
	s1 =	sshll.u32 s2, $0x7  }
0x18b: {  	(v2sf) =	vpush v0, $0x2;
	s2 =	sand.u32 $0xFFFFE000, s24;
	s1 =	sand.u32 $0x380, s1  }
0x18c: {  	s24 =	sadd.s32 $0x810, s0;
	s1 =	sor.u32 s1, s2  }
0x18d: {  	[hbm4b:s24+s3] =	stream.linear.scatter [tilespmem:s1], [sflag:$0x1], $0x80, $0x38;
	[tilespmem:$0x2400] =	vst v63  }
0x18e: {  	s2 =	sor.u32 $0x400, s1;
	s24 =	sadd.s32 $0x890, s0  }
0x18f: {  	[hbm4b:s24+s3] =	stream.linear.scatter [tilespmem:s2], [sflag:$0x1], $0x80, $0x38;
	[tilespmem:$0x2400] =	vst v63  }
0x190: {  	s2 =	sor.u32 $0x800, s1;
	s24 =	sadd.s32 $0x910, s0  }
0x191: {  	[hbm4b:s24+s3] =	stream.linear.scatter [tilespmem:s2], [sflag:$0x1], $0x80, $0x38;
	[tilespmem:$0x2400] =	vst v63  }
0x192: {  	s2 =	sor.u32 $0xC00, s1;
	s24 =	sadd.s32 $0x990, s0  }
0x193: {  	[hbm4b:s24+s3] =	stream.linear.scatter [tilespmem:s2], [sflag:$0x1], $0x80, $0x38;
	[tilespmem:$0x2400] =	vst v63  }
0x194: {  	s2 =	sor.u32 $0x1000, s1;
	s24 =	sadd.s32 $0xA10, s0  }
0x195: {  	[hbm4b:s24+s3] =	stream.linear.scatter [tilespmem:s2], [sflag:$0x1], $0x80, $0x38;
	[tilespmem:$0x2400] =	vst v63  }
0x196: {  	s2 =	sor.u32 $0x1400, s1;
	s24 =	sadd.s32 $0xA90, s0  }
0x197: {  	[hbm4b:s24+s3] =	stream.linear.scatter [tilespmem:s2], [sflag:$0x1], $0x80, $0x38;
	[tilespmem:$0x2400] =	vst v63  }
0x198: {  	s2 =	sor.u32 $0x1800, s1;
	s24 =	sadd.s32 $0xB10, s0  }
0x199: {  	[hbm4b:s24+s3] =	stream.linear.scatter [tilespmem:s2], [sflag:$0x1], $0x80, $0x38;
	[tilespmem:$0x2400] =	vst v63  }
0x19a: {  	s1 =	sor.u32 $0x1C00, s1;
	s24 =	sadd.s32 $0xB90, s0;
	s2 =	spop (v2sf)  }
0x19b: {  	[hbm4b:s24+s3] =	stream.linear.scatter [tilespmem:s1], [sflag:$0x1], $0x80, $0x38;
	[tilespmem:$0x2400] =	vst v63  }
0x19c: {  	s24 =	sshll.u32 s2, $0xA;
	s1 =	sshll.u32 s2, $0x7  }
0x19d: {  	(v2sf) =	vpush v0, $0x3;
	s2 =	sand.u32 $0xFFFFE000, s24;
	s1 =	sand.u32 $0x380, s1  }
0x19e: {  	s24 =	sadd.s32 $0x820, s0;
	s1 =	sor.u32 s1, s2  }
0x19f: {  	[hbm4b:s24+s3] =	stream.linear.scatter [tilespmem:s1], [sflag:$0x1], $0x80, $0x38;
	[tilespmem:$0x2400] =	vst v63  }
0x1a0: {  	s2 =	sor.u32 $0x400, s1;
	s24 =	sadd.s32 $0x8A0, s0  }
0x1a1: {  	[hbm4b:s24+s3] =	stream.linear.scatter [tilespmem:s2], [sflag:$0x1], $0x80, $0x38;
	[tilespmem:$0x2400] =	vst v63  }
0x1a2: {  	s2 =	sor.u32 $0x800, s1;
	s24 =	sadd.s32 $0x920, s0  }
0x1a3: {  	[hbm4b:s24+s3] =	stream.linear.scatter [tilespmem:s2], [sflag:$0x1], $0x80, $0x38;
	[tilespmem:$0x2400] =	vst v63  }
0x1a4: {  	s2 =	sor.u32 $0xC00, s1;
	s24 =	sadd.s32 $0x9A0, s0  }
0x1a5: {  	[hbm4b:s24+s3] =	stream.linear.scatter [tilespmem:s2], [sflag:$0x1], $0x80, $0x38;
	[tilespmem:$0x2400] =	vst v63  }
0x1a6: {  	s2 =	sor.u32 $0x1000, s1;
	s24 =	sadd.s32 $0xA20, s0  }
0x1a7: {  	[hbm4b:s24+s3] =	stream.linear.scatter [tilespmem:s2], [sflag:$0x1], $0x80, $0x38;
	[tilespmem:$0x2400] =	vst v63  }
0x1a8: {  	s2 =	sor.u32 $0x1400, s1;
	s24 =	sadd.s32 $0xAA0, s0  }
0x1a9: {  	[hbm4b:s24+s3] =	stream.linear.scatter [tilespmem:s2], [sflag:$0x1], $0x80, $0x38;
	[tilespmem:$0x2400] =	vst v63  }
0x1aa: {  	s2 =	sor.u32 $0x1800, s1;
	s24 =	sadd.s32 $0xB20, s0  }
0x1ab: {  	[hbm4b:s24+s3] =	stream.linear.scatter [tilespmem:s2], [sflag:$0x1], $0x80, $0x38;
	[tilespmem:$0x2400] =	vst v63  }
0x1ac: {  	s1 =	sor.u32 $0x1C00, s1;
	s24 =	sadd.s32 $0xBA0, s0;
	s2 =	spop (v2sf)  }
0x1ad: {  	[hbm4b:s24+s3] =	stream.linear.scatter [tilespmem:s1], [sflag:$0x1], $0x80, $0x38;
	[tilespmem:$0x2400] =	vst v63  }
0x1ae: {  	s24 =	sshll.u32 s2, $0xA;
	s1 =	sshll.u32 s2, $0x7  }
0x1af: {  	(v2sf) =	vpush v0, $0x4;
	s2 =	sand.u32 $0xFFFFE000, s24;
	s1 =	sand.u32 $0x380, s1  }
0x1b0: {  	s24 =	sadd.s32 $0x830, s0;
	s1 =	sor.u32 s1, s2  }
0x1b1: {  	[hbm4b:s24+s3] =	stream.linear.scatter [tilespmem:s1], [sflag:$0x1], $0x80, $0x38;
	[tilespmem:$0x2400] =	vst v63  }
0x1b2: {  	s2 =	sor.u32 $0x400, s1;
	s24 =	sadd.s32 $0x8B0, s0  }
0x1b3: {  	[hbm4b:s24+s3] =	stream.linear.scatter [tilespmem:s2], [sflag:$0x1], $0x80, $0x38;
	[tilespmem:$0x2400] =	vst v63  }
0x1b4: {  	s2 =	sor.u32 $0x800, s1;
	s24 =	sadd.s32 $0x930, s0  }
0x1b5: {  	[hbm4b:s24+s3] =	stream.linear.scatter [tilespmem:s2], [sflag:$0x1], $0x80, $0x38;
	[tilespmem:$0x2400] =	vst v63  }
0x1b6: {  	s2 =	sor.u32 $0xC00, s1;
	s24 =	sadd.s32 $0x9B0, s0  }
0x1b7: {  	[hbm4b:s24+s3] =	stream.linear.scatter [tilespmem:s2], [sflag:$0x1], $0x80, $0x38;
	[tilespmem:$0x2400] =	vst v63  }
0x1b8: {  	s2 =	sor.u32 $0x1000, s1;
	s24 =	sadd.s32 $0xA30, s0  }
0x1b9: {  	[hbm4b:s24+s3] =	stream.linear.scatter [tilespmem:s2], [sflag:$0x1], $0x80, $0x38;
	[tilespmem:$0x2400] =	vst v63  }
0x1ba: {  	s2 =	sor.u32 $0x1400, s1;
	s24 =	sadd.s32 $0xAB0, s0  }
0x1bb: {  	[hbm4b:s24+s3] =	stream.linear.scatter [tilespmem:s2], [sflag:$0x1], $0x80, $0x38;
	[tilespmem:$0x2400] =	vst v63  }
0x1bc: {  	s2 =	sor.u32 $0x1800, s1;
	s24 =	sadd.s32 $0xB30, s0  }
0x1bd: {  	[hbm4b:s24+s3] =	stream.linear.scatter [tilespmem:s2], [sflag:$0x1], $0x80, $0x38;
	[tilespmem:$0x2400] =	vst v63  }
0x1be: {  	s1 =	sor.u32 $0x1C00, s1;
	s24 =	sadd.s32 $0xBB0, s0;
	s2 =	spop (v2sf)  }
0x1bf: {  	[hbm4b:s24+s3] =	stream.linear.scatter [tilespmem:s1], [sflag:$0x1], $0x80, $0x38;
	[tilespmem:$0x2400] =	vst v63  }
0x1c0: {  	s24 =	sshll.u32 s2, $0xA;
	s1 =	sshll.u32 s2, $0x7  }
0x1c1: {  	(v2sf) =	vpush v0, $0x5;
	s2 =	sand.u32 $0xFFFFE000, s24;
	s1 =	sand.u32 $0x380, s1  }
0x1c2: {  	s24 =	sadd.s32 $0x840, s0;
	s1 =	sor.u32 s1, s2  }
0x1c3: {  	[hbm4b:s24+s3] =	stream.linear.scatter [tilespmem:s1], [sflag:$0x1], $0x80, $0x38;
	[tilespmem:$0x2400] =	vst v63  }
0x1c4: {  	s2 =	sor.u32 $0x400, s1;
	s24 =	sadd.s32 $0x8C0, s0  }
0x1c5: {  	[hbm4b:s24+s3] =	stream.linear.scatter [tilespmem:s2], [sflag:$0x1], $0x80, $0x38;
	[tilespmem:$0x2400] =	vst v63  }
0x1c6: {  	s2 =	sor.u32 $0x800, s1;
	s24 =	sadd.s32 $0x940, s0  }
0x1c7: {  	[hbm4b:s24+s3] =	stream.linear.scatter [tilespmem:s2], [sflag:$0x1], $0x80, $0x38;
	[tilespmem:$0x2400] =	vst v63  }
0x1c8: {  	s2 =	sor.u32 $0xC00, s1;
	s24 =	sadd.s32 $0x9C0, s0  }
0x1c9: {  	[hbm4b:s24+s3] =	stream.linear.scatter [tilespmem:s2], [sflag:$0x1], $0x80, $0x38;
	[tilespmem:$0x2400] =	vst v63  }
0x1ca: {  	s2 =	sor.u32 $0x1000, s1;
	s24 =	sadd.s32 $0xA40, s0  }
0x1cb: {  	[hbm4b:s24+s3] =	stream.linear.scatter [tilespmem:s2], [sflag:$0x1], $0x80, $0x38;
	[tilespmem:$0x2400] =	vst v63  }
0x1cc: {  	s2 =	sor.u32 $0x1400, s1;
	s24 =	sadd.s32 $0xAC0, s0  }
0x1cd: {  	[hbm4b:s24+s3] =	stream.linear.scatter [tilespmem:s2], [sflag:$0x1], $0x80, $0x38;
	[tilespmem:$0x2400] =	vst v63  }
0x1ce: {  	s2 =	sor.u32 $0x1800, s1;
	s24 =	sadd.s32 $0xB40, s0  }
0x1cf: {  	[hbm4b:s24+s3] =	stream.linear.scatter [tilespmem:s2], [sflag:$0x1], $0x80, $0x38;
	[tilespmem:$0x2400] =	vst v63  }
0x1d0: {  	s1 =	sor.u32 $0x1C00, s1;
	s24 =	sadd.s32 $0xBC0, s0;
	s2 =	spop (v2sf)  }
0x1d1: {  	[hbm4b:s24+s3] =	stream.linear.scatter [tilespmem:s1], [sflag:$0x1], $0x80, $0x38;
	[tilespmem:$0x2400] =	vst v63  }
0x1d2: {  	s24 =	sshll.u32 s2, $0xA;
	s1 =	sshll.u32 s2, $0x7  }
0x1d3: {  	(v2sf) =	vpush v0, $0x6;
	s2 =	sand.u32 $0xFFFFE000, s24;
	s1 =	sand.u32 $0x380, s1  }
0x1d4: {  	s24 =	sadd.s32 $0x850, s0;
	s1 =	sor.u32 s1, s2  }
0x1d5: {  	[hbm4b:s24+s3] =	stream.linear.scatter [tilespmem:s1], [sflag:$0x1], $0x80, $0x38;
	[tilespmem:$0x2400] =	vst v63  }
0x1d6: {  	s2 =	sor.u32 $0x400, s1;
	s24 =	sadd.s32 $0x8D0, s0  }
0x1d7: {  	[hbm4b:s24+s3] =	stream.linear.scatter [tilespmem:s2], [sflag:$0x1], $0x80, $0x38;
	[tilespmem:$0x2400] =	vst v63  }
0x1d8: {  	s2 =	sor.u32 $0x800, s1;
	s24 =	sadd.s32 $0x950, s0  }
0x1d9: {  	[hbm4b:s24+s3] =	stream.linear.scatter [tilespmem:s2], [sflag:$0x1], $0x80, $0x38;
	[tilespmem:$0x2400] =	vst v63  }
0x1da: {  	s2 =	sor.u32 $0xC00, s1;
	s24 =	sadd.s32 $0x9D0, s0  }
0x1db: {  	[hbm4b:s24+s3] =	stream.linear.scatter [tilespmem:s2], [sflag:$0x1], $0x80, $0x38;
	[tilespmem:$0x2400] =	vst v63  }
0x1dc: {  	s2 =	sor.u32 $0x1000, s1;
	s24 =	sadd.s32 $0xA50, s0  }
0x1dd: {  	[hbm4b:s24+s3] =	stream.linear.scatter [tilespmem:s2], [sflag:$0x1], $0x80, $0x38;
	[tilespmem:$0x2400] =	vst v63  }
0x1de: {  	s2 =	sor.u32 $0x1400, s1;
	s24 =	sadd.s32 $0xAD0, s0  }
0x1df: {  	[hbm4b:s24+s3] =	stream.linear.scatter [tilespmem:s2], [sflag:$0x1], $0x80, $0x38;
	[tilespmem:$0x2400] =	vst v63  }
0x1e0: {  	s2 =	sor.u32 $0x1800, s1;
	s24 =	sadd.s32 $0xB50, s0  }
0x1e1: {  	[hbm4b:s24+s3] =	stream.linear.scatter [tilespmem:s2], [sflag:$0x1], $0x80, $0x38;
	[tilespmem:$0x2400] =	vst v63  }
0x1e2: {  	s1 =	sor.u32 $0x1C00, s1;
	s24 =	sadd.s32 $0xBD0, s0;
	s2 =	spop (v2sf)  }
0x1e3: {  	[hbm4b:s24+s3] =	stream.linear.scatter [tilespmem:s1], [sflag:$0x1], $0x80, $0x38;
	[tilespmem:$0x2400] =	vst v63  }
0x1e4: {  	s24 =	sshll.u32 s2, $0xA;
	s1 =	sshll.u32 s2, $0x7  }
0x1e5: {  	(v2sf) =	vpush v0, $0x7;
	s2 =	sand.u32 $0xFFFFE000, s24;
	s1 =	sand.u32 $0x380, s1  }
0x1e6: {  	s24 =	sadd.s32 $0x860, s0;
	s1 =	sor.u32 s1, s2  }
0x1e7: {  	[hbm4b:s24+s3] =	stream.linear.scatter [tilespmem:s1], [sflag:$0x1], $0x80, $0x38;
	[tilespmem:$0x2400] =	vst v63  }
0x1e8: {  	s2 =	sor.u32 $0x400, s1;
	s24 =	sadd.s32 $0x8E0, s0  }
0x1e9: {  	[hbm4b:s24+s3] =	stream.linear.scatter [tilespmem:s2], [sflag:$0x1], $0x80, $0x38;
	[tilespmem:$0x2400] =	vst v63  }
0x1ea: {  	s2 =	sor.u32 $0x800, s1;
	s24 =	sadd.s32 $0x960, s0  }
0x1eb: {  	[hbm4b:s24+s3] =	stream.linear.scatter [tilespmem:s2], [sflag:$0x1], $0x80, $0x38;
	[tilespmem:$0x2400] =	vst v63  }
0x1ec: {  	s2 =	sor.u32 $0xC00, s1;
	s24 =	sadd.s32 $0x9E0, s0  }
0x1ed: {  	[hbm4b:s24+s3] =	stream.linear.scatter [tilespmem:s2], [sflag:$0x1], $0x80, $0x38;
	[tilespmem:$0x2400] =	vst v63  }
0x1ee: {  	s2 =	sor.u32 $0x1000, s1;
	s24 =	sadd.s32 $0xA60, s0  }
0x1ef: {  	[hbm4b:s24+s3] =	stream.linear.scatter [tilespmem:s2], [sflag:$0x1], $0x80, $0x38;
	[tilespmem:$0x2400] =	vst v63  }
0x1f0: {  	s2 =	sor.u32 $0x1400, s1;
	s24 =	sadd.s32 $0xAE0, s0  }
0x1f1: {  	[hbm4b:s24+s3] =	stream.linear.scatter [tilespmem:s2], [sflag:$0x1], $0x80, $0x38;
	[tilespmem:$0x2400] =	vst v63  }
0x1f2: {  	s2 =	sor.u32 $0x1800, s1;
	s24 =	sadd.s32 $0xB60, s0  }
0x1f3: {  	[hbm4b:s24+s3] =	stream.linear.scatter [tilespmem:s2], [sflag:$0x1], $0x80, $0x38;
	[tilespmem:$0x2400] =	vst v63  }
0x1f4: {  	s1 =	sor.u32 $0x1C00, s1;
	s24 =	sadd.s32 $0xBE0, s0;
	s2 =	spop (v2sf)  }
0x1f5: {  	[hbm4b:s24+s3] =	stream.linear.scatter [tilespmem:s1], [sflag:$0x1], $0x80, $0x38;
	[tilespmem:$0x2400] =	vst v63  }
0x1f6: {  	s24 =	sshll.u32 s2, $0xA;
	s1 =	sshll.u32 s2, $0x7  }
0x1f7: {  	(v2sf) =	vpush v0, $0x8;
	s2 =	sand.u32 $0xFFFFE000, s24;
	s1 =	sand.u32 $0x380, s1  }
0x1f8: {  	s24 =	sadd.s32 $0x870, s0;
	s1 =	sor.u32 s1, s2  }
0x1f9: {  	[hbm4b:s24+s3] =	stream.linear.scatter [tilespmem:s1], [sflag:$0x1], $0x80, $0x38;
	[tilespmem:$0x2400] =	vst v63  }
0x1fa: {  	s2 =	sor.u32 $0x400, s1;
	s24 =	sadd.s32 $0x8F0, s0  }
0x1fb: {  	[hbm4b:s24+s3] =	stream.linear.scatter [tilespmem:s2], [sflag:$0x1], $0x80, $0x38;
	[tilespmem:$0x2400] =	vst v63  }
0x1fc: {  	s2 =	sor.u32 $0x800, s1;
	s24 =	sadd.s32 $0x970, s0  }
0x1fd: {  	[hbm4b:s24+s3] =	stream.linear.scatter [tilespmem:s2], [sflag:$0x1], $0x80, $0x38;
	[tilespmem:$0x2400] =	vst v63  }
0x1fe: {  	s2 =	sor.u32 $0xC00, s1;
	s24 =	sadd.s32 $0x9F0, s0  }
0x1ff: {  	[hbm4b:s24+s3] =	stream.linear.scatter [tilespmem:s2], [sflag:$0x1], $0x80, $0x38;
	[tilespmem:$0x2400] =	vst v63  }
0x200: {  	s2 =	sor.u32 $0x1000, s1;
	s24 =	sadd.s32 $0xA70, s0  }
0x201: {  	[hbm4b:s24+s3] =	stream.linear.scatter [tilespmem:s2], [sflag:$0x1], $0x80, $0x38;
	[tilespmem:$0x2400] =	vst v63  }
0x202: {  	s2 =	sor.u32 $0x1400, s1;
	s24 =	sadd.s32 $0xAF0, s0  }
0x203: {  	[hbm4b:s24+s3] =	stream.linear.scatter [tilespmem:s2], [sflag:$0x1], $0x80, $0x38;
	[tilespmem:$0x2400] =	vst v63  }
0x204: {  	s2 =	sor.u32 $0x1800, s1;
	s24 =	sadd.s32 $0xB70, s0  }
0x205: {  	[hbm4b:s24+s3] =	stream.linear.scatter [tilespmem:s2], [sflag:$0x1], $0x80, $0x38;
	[tilespmem:$0x2400] =	vst v63  }
0x206: {  	s1 =	sor.u32 $0x1C00, s1;
	s24 =	sadd.s32 $0xBF0, s0;
	s2 =	spop (v2sf)  }
0x207: {  	[hbm4b:s24+s3] =	stream.linear.scatter [tilespmem:s1], [sflag:$0x1], $0x80, $0x38;
	[tilespmem:$0x2400] =	vst v63  }
0x208: {  	s24 =	sshll.u32 s2, $0xA;
	s1 =	sshll.u32 s2, $0x7  }
0x209: {  	(v2sf) =	vpush v0, $0x9;
	s2 =	sand.u32 $0xFFFFE000, s24;
	s1 =	sand.u32 $0x380, s1  }
0x20a: {  	s24 =	sadd.s32 $0xC00, s0;
	s1 =	sor.u32 s1, s2  }
0x20b: {  	[hbm4b:s24+s3] =	stream.linear.scatter [tilespmem:s1], [sflag:$0x1], $0x80, $0x38;
	[tilespmem:$0x2400] =	vst v63  }
0x20c: {  	s2 =	sor.u32 $0x400, s1;
	s24 =	sadd.s32 $0xC80, s0  }
0x20d: {  	[hbm4b:s24+s3] =	stream.linear.scatter [tilespmem:s2], [sflag:$0x1], $0x80, $0x38;
	[tilespmem:$0x2400] =	vst v63  }
0x20e: {  	s2 =	sor.u32 $0x800, s1;
	s24 =	sadd.s32 $0xD00, s0  }
0x20f: {  	[hbm4b:s24+s3] =	stream.linear.scatter [tilespmem:s2], [sflag:$0x1], $0x80, $0x38;
	[tilespmem:$0x2400] =	vst v63  }
0x210: {  	s2 =	sor.u32 $0xC00, s1;
	s24 =	sadd.s32 $0xD80, s0  }
0x211: {  	[hbm4b:s24+s3] =	stream.linear.scatter [tilespmem:s2], [sflag:$0x1], $0x80, $0x38;
	[tilespmem:$0x2400] =	vst v63  }
0x212: {  	s2 =	sor.u32 $0x1000, s1;
	s24 =	sadd.s32 $0xE00, s0  }
0x213: {  	[hbm4b:s24+s3] =	stream.linear.scatter [tilespmem:s2], [sflag:$0x1], $0x80, $0x38;
	[tilespmem:$0x2400] =	vst v63  }
0x214: {  	s2 =	sor.u32 $0x1400, s1;
	s24 =	sadd.s32 $0xE80, s0  }
0x215: {  	[hbm4b:s24+s3] =	stream.linear.scatter [tilespmem:s2], [sflag:$0x1], $0x80, $0x38;
	[tilespmem:$0x2400] =	vst v63  }
0x216: {  	s2 =	sor.u32 $0x1800, s1;
	s24 =	sadd.s32 $0xF00, s0  }
0x217: {  	[hbm4b:s24+s3] =	stream.linear.scatter [tilespmem:s2], [sflag:$0x1], $0x80, $0x38;
	[tilespmem:$0x2400] =	vst v63  }
0x218: {  	s1 =	sor.u32 $0x1C00, s1;
	s24 =	sadd.s32 $0xF80, s0;
	s2 =	spop (v2sf)  }
0x219: {  	[hbm4b:s24+s3] =	stream.linear.scatter [tilespmem:s1], [sflag:$0x1], $0x80, $0x38;
	[tilespmem:$0x2400] =	vst v63  }
0x21a: {  	s24 =	sshll.u32 s2, $0xA;
	s1 =	sshll.u32 s2, $0x7  }
0x21b: {  	(v2sf) =	vpush v0, $0xA;
	s2 =	sand.u32 $0xFFFFE000, s24;
	s1 =	sand.u32 $0x380, s1  }
0x21c: {  	s24 =	sadd.s32 $0xC10, s0;
	s1 =	sor.u32 s1, s2  }
0x21d: {  	[hbm4b:s24+s3] =	stream.linear.scatter [tilespmem:s1], [sflag:$0x1], $0x80, $0x38;
	[tilespmem:$0x2400] =	vst v63  }
0x21e: {  	s2 =	sor.u32 $0x400, s1;
	s24 =	sadd.s32 $0xC90, s0  }
0x21f: {  	[hbm4b:s24+s3] =	stream.linear.scatter [tilespmem:s2], [sflag:$0x1], $0x80, $0x38;
	[tilespmem:$0x2400] =	vst v63  }
0x220: {  	s2 =	sor.u32 $0x800, s1;
	s24 =	sadd.s32 $0xD10, s0  }
0x221: {  	[hbm4b:s24+s3] =	stream.linear.scatter [tilespmem:s2], [sflag:$0x1], $0x80, $0x38;
	[tilespmem:$0x2400] =	vst v63  }
0x222: {  	s2 =	sor.u32 $0xC00, s1;
	s24 =	sadd.s32 $0xD90, s0  }
0x223: {  	[hbm4b:s24+s3] =	stream.linear.scatter [tilespmem:s2], [sflag:$0x1], $0x80, $0x38;
	[tilespmem:$0x2400] =	vst v63  }
0x224: {  	s2 =	sor.u32 $0x1000, s1;
	s24 =	sadd.s32 $0xE10, s0  }
0x225: {  	[hbm4b:s24+s3] =	stream.linear.scatter [tilespmem:s2], [sflag:$0x1], $0x80, $0x38;
	[tilespmem:$0x2400] =	vst v63  }
0x226: {  	s2 =	sor.u32 $0x1400, s1;
	s24 =	sadd.s32 $0xE90, s0  }
0x227: {  	[hbm4b:s24+s3] =	stream.linear.scatter [tilespmem:s2], [sflag:$0x1], $0x80, $0x38;
	[tilespmem:$0x2400] =	vst v63  }
0x228: {  	s2 =	sor.u32 $0x1800, s1;
	s24 =	sadd.s32 $0xF10, s0  }
0x229: {  	[hbm4b:s24+s3] =	stream.linear.scatter [tilespmem:s2], [sflag:$0x1], $0x80, $0x38;
	[tilespmem:$0x2400] =	vst v63  }
0x22a: {  	s1 =	sor.u32 $0x1C00, s1;
	s24 =	sadd.s32 $0xF90, s0;
	s2 =	spop (v2sf)  }
0x22b: {  	[hbm4b:s24+s3] =	stream.linear.scatter [tilespmem:s1], [sflag:$0x1], $0x80, $0x38;
	[tilespmem:$0x2400] =	vst v63  }
0x22c: {  	s24 =	sshll.u32 s2, $0xA;
	s1 =	sshll.u32 s2, $0x7  }
0x22d: {  	(v2sf) =	vpush v0, $0xB;
	s2 =	sand.u32 $0xFFFFE000, s24;
	s1 =	sand.u32 $0x380, s1  }
0x22e: {  	s24 =	sadd.s32 $0xC20, s0;
	s1 =	sor.u32 s1, s2  }
0x22f: {  	[hbm4b:s24+s3] =	stream.linear.scatter [tilespmem:s1], [sflag:$0x1], $0x80, $0x38;
	[tilespmem:$0x2400] =	vst v63  }
0x230: {  	s2 =	sor.u32 $0x400, s1;
	s24 =	sadd.s32 $0xCA0, s0  }
0x231: {  	[hbm4b:s24+s3] =	stream.linear.scatter [tilespmem:s2], [sflag:$0x1], $0x80, $0x38;
	[tilespmem:$0x2400] =	vst v63  }
0x232: {  	s2 =	sor.u32 $0x800, s1;
	s24 =	sadd.s32 $0xD20, s0  }
0x233: {  	[hbm4b:s24+s3] =	stream.linear.scatter [tilespmem:s2], [sflag:$0x1], $0x80, $0x38;
	[tilespmem:$0x2400] =	vst v63  }
0x234: {  	s2 =	sor.u32 $0xC00, s1;
	s24 =	sadd.s32 $0xDA0, s0  }
0x235: {  	[hbm4b:s24+s3] =	stream.linear.scatter [tilespmem:s2], [sflag:$0x1], $0x80, $0x38;
	[tilespmem:$0x2400] =	vst v63  }
0x236: {  	s2 =	sor.u32 $0x1000, s1;
	s24 =	sadd.s32 $0xE20, s0  }
0x237: {  	[hbm4b:s24+s3] =	stream.linear.scatter [tilespmem:s2], [sflag:$0x1], $0x80, $0x38;
	[tilespmem:$0x2400] =	vst v63  }
0x238: {  	s2 =	sor.u32 $0x1400, s1;
	s24 =	sadd.s32 $0xEA0, s0  }
0x239: {  	[hbm4b:s24+s3] =	stream.linear.scatter [tilespmem:s2], [sflag:$0x1], $0x80, $0x38;
	[tilespmem:$0x2400] =	vst v63  }
0x23a: {  	s2 =	sor.u32 $0x1800, s1;
	s24 =	sadd.s32 $0xF20, s0  }
0x23b: {  	[hbm4b:s24+s3] =	stream.linear.scatter [tilespmem:s2], [sflag:$0x1], $0x80, $0x38;
	[tilespmem:$0x2400] =	vst v63  }
0x23c: {  	s1 =	sor.u32 $0x1C00, s1;
	s24 =	sadd.s32 $0xFA0, s0;
	s2 =	spop (v2sf)  }
0x23d: {  	[hbm4b:s24+s3] =	stream.linear.scatter [tilespmem:s1], [sflag:$0x1], $0x80, $0x38;
	[tilespmem:$0x2400] =	vst v63  }
0x23e: {  	s24 =	sshll.u32 s2, $0xA;
	s1 =	sshll.u32 s2, $0x7  }
0x23f: {  	(v2sf) =	vpush v0, $0xC;
	s2 =	sand.u32 $0xFFFFE000, s24;
	s1 =	sand.u32 $0x380, s1  }
0x240: {  	s24 =	sadd.s32 $0xC30, s0;
	s1 =	sor.u32 s1, s2  }
0x241: {  	[hbm4b:s24+s3] =	stream.linear.scatter [tilespmem:s1], [sflag:$0x1], $0x80, $0x38;
	[tilespmem:$0x2400] =	vst v63  }
0x242: {  	s2 =	sor.u32 $0x400, s1;
	s24 =	sadd.s32 $0xCB0, s0  }
0x243: {  	[hbm4b:s24+s3] =	stream.linear.scatter [tilespmem:s2], [sflag:$0x1], $0x80, $0x38;
	[tilespmem:$0x2400] =	vst v63  }
0x244: {  	s2 =	sor.u32 $0x800, s1;
	s24 =	sadd.s32 $0xD30, s0  }
0x245: {  	[hbm4b:s24+s3] =	stream.linear.scatter [tilespmem:s2], [sflag:$0x1], $0x80, $0x38;
	[tilespmem:$0x2400] =	vst v63  }
0x246: {  	s2 =	sor.u32 $0xC00, s1;
	s24 =	sadd.s32 $0xDB0, s0  }
0x247: {  	[hbm4b:s24+s3] =	stream.linear.scatter [tilespmem:s2], [sflag:$0x1], $0x80, $0x38;
	[tilespmem:$0x2400] =	vst v63  }
0x248: {  	s2 =	sor.u32 $0x1000, s1;
	s24 =	sadd.s32 $0xE30, s0  }
0x249: {  	[hbm4b:s24+s3] =	stream.linear.scatter [tilespmem:s2], [sflag:$0x1], $0x80, $0x38;
	[tilespmem:$0x2400] =	vst v63  }
0x24a: {  	s2 =	sor.u32 $0x1400, s1;
	s24 =	sadd.s32 $0xEB0, s0  }
0x24b: {  	[hbm4b:s24+s3] =	stream.linear.scatter [tilespmem:s2], [sflag:$0x1], $0x80, $0x38;
	[tilespmem:$0x2400] =	vst v63  }
0x24c: {  	s2 =	sor.u32 $0x1800, s1;
	s24 =	sadd.s32 $0xF30, s0  }
0x24d: {  	[hbm4b:s24+s3] =	stream.linear.scatter [tilespmem:s2], [sflag:$0x1], $0x80, $0x38;
	[tilespmem:$0x2400] =	vst v63  }
0x24e: {  	s1 =	sor.u32 $0x1C00, s1;
	s24 =	sadd.s32 $0xFB0, s0;
	s2 =	spop (v2sf)  }
0x24f: {  	[hbm4b:s24+s3] =	stream.linear.scatter [tilespmem:s1], [sflag:$0x1], $0x80, $0x38;
	[tilespmem:$0x2400] =	vst v63  }
0x250: {  	s24 =	sshll.u32 s2, $0xA;
	s1 =	sshll.u32 s2, $0x7  }
0x251: {  	(v2sf) =	vpush v0, $0xD;
	s2 =	sand.u32 $0xFFFFE000, s24;
	s1 =	sand.u32 $0x380, s1  }
0x252: {  	s24 =	sadd.s32 $0xC40, s0;
	s1 =	sor.u32 s1, s2  }
0x253: {  	[hbm4b:s24+s3] =	stream.linear.scatter [tilespmem:s1], [sflag:$0x1], $0x80, $0x38;
	[tilespmem:$0x2400] =	vst v63  }
0x254: {  	s2 =	sor.u32 $0x400, s1;
	s24 =	sadd.s32 $0xCC0, s0  }
0x255: {  	[hbm4b:s24+s3] =	stream.linear.scatter [tilespmem:s2], [sflag:$0x1], $0x80, $0x38;
	[tilespmem:$0x2400] =	vst v63  }
0x256: {  	s2 =	sor.u32 $0x800, s1;
	s24 =	sadd.s32 $0xD40, s0  }
0x257: {  	[hbm4b:s24+s3] =	stream.linear.scatter [tilespmem:s2], [sflag:$0x1], $0x80, $0x38;
	[tilespmem:$0x2400] =	vst v63  }
0x258: {  	s2 =	sor.u32 $0xC00, s1;
	s24 =	sadd.s32 $0xDC0, s0  }
0x259: {  	[hbm4b:s24+s3] =	stream.linear.scatter [tilespmem:s2], [sflag:$0x1], $0x80, $0x38;
	[tilespmem:$0x2400] =	vst v63  }
0x25a: {  	s2 =	sor.u32 $0x1000, s1;
	s24 =	sadd.s32 $0xE40, s0  }
0x25b: {  	[hbm4b:s24+s3] =	stream.linear.scatter [tilespmem:s2], [sflag:$0x1], $0x80, $0x38;
	[tilespmem:$0x2400] =	vst v63  }
0x25c: {  	s2 =	sor.u32 $0x1400, s1;
	s24 =	sadd.s32 $0xEC0, s0  }
0x25d: {  	[hbm4b:s24+s3] =	stream.linear.scatter [tilespmem:s2], [sflag:$0x1], $0x80, $0x38;
	[tilespmem:$0x2400] =	vst v63  }
0x25e: {  	s2 =	sor.u32 $0x1800, s1;
	s24 =	sadd.s32 $0xF40, s0  }
0x25f: {  	[hbm4b:s24+s3] =	stream.linear.scatter [tilespmem:s2], [sflag:$0x1], $0x80, $0x38;
	[tilespmem:$0x2400] =	vst v63  }
0x260: {  	s1 =	sor.u32 $0x1C00, s1;
	s24 =	sadd.s32 $0xFC0, s0;
	s2 =	spop (v2sf)  }
0x261: {  	[hbm4b:s24+s3] =	stream.linear.scatter [tilespmem:s1], [sflag:$0x1], $0x80, $0x38;
	[tilespmem:$0x2400] =	vst v63  }
0x262: {  	s24 =	sshll.u32 s2, $0xA;
	s1 =	sshll.u32 s2, $0x7  }
0x263: {  	(v2sf) =	vpush v0, $0xE;
	s2 =	sand.u32 $0xFFFFE000, s24;
	s1 =	sand.u32 $0x380, s1  }
0x264: {  	s24 =	sadd.s32 $0xC50, s0;
	s1 =	sor.u32 s1, s2  }
0x265: {  	[hbm4b:s24+s3] =	stream.linear.scatter [tilespmem:s1], [sflag:$0x1], $0x80, $0x38;
	[tilespmem:$0x2400] =	vst v63  }
0x266: {  	s2 =	sor.u32 $0x400, s1;
	s24 =	sadd.s32 $0xCD0, s0  }
0x267: {  	[hbm4b:s24+s3] =	stream.linear.scatter [tilespmem:s2], [sflag:$0x1], $0x80, $0x38;
	[tilespmem:$0x2400] =	vst v63  }
0x268: {  	s2 =	sor.u32 $0x800, s1;
	s24 =	sadd.s32 $0xD50, s0  }
0x269: {  	[hbm4b:s24+s3] =	stream.linear.scatter [tilespmem:s2], [sflag:$0x1], $0x80, $0x38;
	[tilespmem:$0x2400] =	vst v63  }
0x26a: {  	s2 =	sor.u32 $0xC00, s1;
	s24 =	sadd.s32 $0xDD0, s0  }
0x26b: {  	[hbm4b:s24+s3] =	stream.linear.scatter [tilespmem:s2], [sflag:$0x1], $0x80, $0x38;
	[tilespmem:$0x2400] =	vst v63  }
0x26c: {  	s2 =	sor.u32 $0x1000, s1;
	s24 =	sadd.s32 $0xE50, s0  }
0x26d: {  	[hbm4b:s24+s3] =	stream.linear.scatter [tilespmem:s2], [sflag:$0x1], $0x80, $0x38;
	[tilespmem:$0x2400] =	vst v63  }
0x26e: {  	s2 =	sor.u32 $0x1400, s1;
	s24 =	sadd.s32 $0xED0, s0  }
0x26f: {  	[hbm4b:s24+s3] =	stream.linear.scatter [tilespmem:s2], [sflag:$0x1], $0x80, $0x38;
	[tilespmem:$0x2400] =	vst v63  }
0x270: {  	s2 =	sor.u32 $0x1800, s1;
	s24 =	sadd.s32 $0xF50, s0  }
0x271: {  	[hbm4b:s24+s3] =	stream.linear.scatter [tilespmem:s2], [sflag:$0x1], $0x80, $0x38;
	[tilespmem:$0x2400] =	vst v63  }
0x272: {  	s1 =	sor.u32 $0x1C00, s1;
	s24 =	sadd.s32 $0xFD0, s0;
	s2 =	spop (v2sf)  }
0x273: {  	[hbm4b:s24+s3] =	stream.linear.scatter [tilespmem:s1], [sflag:$0x1], $0x80, $0x38;
	[tilespmem:$0x2400] =	vst v63  }
0x274: {  	s24 =	sshll.u32 s2, $0xA;
	s1 =	sshll.u32 s2, $0x7  }
0x275: {  	(v2sf) =	vpush v0, $0xF;
	s2 =	sand.u32 $0xFFFFE000, s24;
	s1 =	sand.u32 $0x380, s1  }
0x276: {  	s24 =	sadd.s32 $0xC60, s0;
	s1 =	sor.u32 s1, s2  }
0x277: {  	[hbm4b:s24+s3] =	stream.linear.scatter [tilespmem:s1], [sflag:$0x1], $0x80, $0x38;
	[tilespmem:$0x2400] =	vst v63  }
0x278: {  	s2 =	sor.u32 $0x400, s1;
	s24 =	sadd.s32 $0xCE0, s0  }
0x279: {  	[hbm4b:s24+s3] =	stream.linear.scatter [tilespmem:s2], [sflag:$0x1], $0x80, $0x38;
	[tilespmem:$0x2400] =	vst v63  }
0x27a: {  	s2 =	sor.u32 $0x800, s1;
	s24 =	sadd.s32 $0xD60, s0  }
0x27b: {  	[hbm4b:s24+s3] =	stream.linear.scatter [tilespmem:s2], [sflag:$0x1], $0x80, $0x38;
	[tilespmem:$0x2400] =	vst v63  }
0x27c: {  	s2 =	sor.u32 $0xC00, s1;
	s24 =	sadd.s32 $0xDE0, s0  }
0x27d: {  	[hbm4b:s24+s3] =	stream.linear.scatter [tilespmem:s2], [sflag:$0x1], $0x80, $0x38;
	[tilespmem:$0x2400] =	vst v63  }
0x27e: {  	s2 =	sor.u32 $0x1000, s1;
	s24 =	sadd.s32 $0xE60, s0  }
0x27f: {  	[hbm4b:s24+s3] =	stream.linear.scatter [tilespmem:s2], [sflag:$0x1], $0x80, $0x38;
	[tilespmem:$0x2400] =	vst v63  }
0x280: {  	s2 =	sor.u32 $0x1400, s1;
	s24 =	sadd.s32 $0xEE0, s0  }
0x281: {  	[hbm4b:s24+s3] =	stream.linear.scatter [tilespmem:s2], [sflag:$0x1], $0x80, $0x38;
	[tilespmem:$0x2400] =	vst v63  }
0x282: {  	s2 =	sor.u32 $0x1800, s1;
	s24 =	sadd.s32 $0xF60, s0  }
0x283: {  	[hbm4b:s24+s3] =	stream.linear.scatter [tilespmem:s2], [sflag:$0x1], $0x80, $0x38;
	[tilespmem:$0x2400] =	vst v63  }
0x284: {  	s1 =	sor.u32 $0x1C00, s1;
	s24 =	sadd.s32 $0xFE0, s0;
	s2 =	spop (v2sf)  }
0x285: {  	[hbm4b:s24+s3] =	stream.linear.scatter [tilespmem:s1], [sflag:$0x1], $0x80, $0x38;
	[tilespmem:$0x2400] =	vst v63  }
0x286: {  	s24 =	sshll.u32 s2, $0xA;
	s1 =	sshll.u32 s2, $0x7  }
0x287: {  	s2 =	sand.u32 $0xFFFFE000, s24;
	s1 =	sand.u32 $0x380, s1  }
0x288: {  	s24 =	sadd.s32 $0xC70, s0;
	s1 =	sor.u32 s1, s2  }
0x289: {  	[hbm4b:s24+s3] =	stream.linear.scatter [tilespmem:s1], [sflag:$0x1], $0x80, $0x38;
	[tilespmem:$0x2400] =	vst v63  }
0x28a: {  	s2 =	sor.u32 $0x400, s1;
	s24 =	sadd.s32 $0xCF0, s0  }
0x28b: {  	[hbm4b:s24+s3] =	stream.linear.scatter [tilespmem:s2], [sflag:$0x1], $0x80, $0x38;
	[tilespmem:$0x2400] =	vst v63  }
0x28c: {  	s2 =	sor.u32 $0x800, s1;
	s24 =	sadd.s32 $0xD70, s0  }
0x28d: {  	[hbm4b:s24+s3] =	stream.linear.scatter [tilespmem:s2], [sflag:$0x1], $0x80, $0x38;
	[tilespmem:$0x2400] =	vst v63  }
0x28e: {  	s2 =	sor.u32 $0xC00, s1;
	s24 =	sadd.s32 $0xDF0, s0  }
0x28f: {  	[hbm4b:s24+s3] =	stream.linear.scatter [tilespmem:s2], [sflag:$0x1], $0x80, $0x38;
	[tilespmem:$0x2400] =	vst v63  }
0x290: {  	s2 =	sor.u32 $0x1000, s1;
	s24 =	sadd.s32 $0xE70, s0  }
0x291: {  	[hbm4b:s24+s3] =	stream.linear.scatter [tilespmem:s2], [sflag:$0x1], $0x80, $0x38;
	[tilespmem:$0x2400] =	vst v63  }
0x292: {  	s2 =	sor.u32 $0x1400, s1;
	s24 =	sadd.s32 $0xEF0, s0  }
0x293: {  	[hbm4b:s24+s3] =	stream.linear.scatter [tilespmem:s2], [sflag:$0x1], $0x80, $0x38;
	[tilespmem:$0x2400] =	vst v63  }
.Ltmp5:
0x294: {  	_ = 	snop;
	(pc) =	sbr.rel .LBB2_4-.Ltmp5, $4  }
0x295: {  	s2 =	sor.u32 $0x1800, s1;
	s24 =	sadd.s32 $0xF70, s0  }
0x296: {  	[hbm4b:s24+s3] =	stream.linear.scatter [tilespmem:s2], [sflag:$0x1], $0x80, $0x38;
	[tilespmem:$0x2400] =	vst v63  }
0x297: {  	s1 =	sor.u32 $0x1C00, s1;
	s0 =	sadd.s32 $0xFF0, s0  }
0x298: {  	[hbm4b:s0+s3] =	stream.linear.scatter [tilespmem:s1], [sflag:$0x1], $0x80, $0x38;
	[tilespmem:$0x2400] =	vst v63  }
.LBB2_6:
0x299: {  	_ =	sfence.sel $0x180000  }
0x29a: {  	[bflag:$0x0] =	sbarrier.arrive $0xFFFF  }
0x29b: {  	_ =	strace $0x90000047  }
0x29c: {  	s0 =	stileid.u32;
	[bflag:$0x2] =	sbarrier.arrive $0xFFFF  }
0x29d: {  	p0 =	sne.s32 s0, $0x0;
	s0 =	rddreg [dreg:$0x3]  }
0x29e: {  	s0 =	sadd.s32 @!p0 $0x100000, s0  }
0x29f: {  	[sflag:s0] =	ssyncadd.tile.s32 @!p0 $0x1;
	_ =	shalt  }
.Lfunc_end2:
_tile_overlayer_lowered:
.L_overlay_start_2:
0x2a0: {  	(tag) =	ssettag $0x2  }
0x2a1: {  	s0 =	rddreg [dreg:$0x0];
	s2 =	stileid.u32  }
0x2a2: {  	s1 =	rddreg [dreg:$0x1];
	p0 =	sne.s32 s2, $0x0  }
0x2a3: {  	s3 =	rddreg [dreg:$0x2];
	[bflag:$0x3] =	sbarrier.arrive $0xFFFF;
	s2 =	simm.s32 @!p0 $0x1C02  }
0x2a4: {  	[timem:s3], [sflag:s2] =	dma.local @!p0 [hbm:s0], s1  }
0x2a5: {  	s0 =	simm.s32 @!p0 $0x2  }
0x2a6: {  	_ =	swait.ge @!p0 [sflag:s0], s1  }
0x2a7: {  	s1 =	ssub.s32 @!p0 $0x0, s1;
	[sflag:s0] =	ssyncset.done @!p0 $0x0  }
0x2a8: {  	[sflag:s0] =	ssyncadd.s32 @!p0 s1  }
0x2a9: {  	[bflag:$0x3] =	sbarrier.arrive $0xFFFF  }
0x2aa: {  	_ =	shalt  }

</sc_bundles>
